<compile_context>
chip_gen: v7x
topology: tpu7x:2x2x1
jax: 0.10.2.dev20260603
libtpu: 0.0.44.dev20260713+nightly
codegen_flags: <defaults>
</compile_context>

<pallas_src>
import jax
import jax.numpy as jnp
from jax import lax
from jax.experimental import pallas as pl
from jax.experimental.pallas import tpu as pltpu
from jax.experimental.pallas import tpu_sc as plsc

_B, _T, _D = 4, 8192, 768
_L = 8192

_INFO = plsc.get_sparse_core_info()
_NC, _NS, _LANES = _INFO.num_cores, _INFO.num_subcores, _INFO.num_lanes
_NW = _NC * _NS
_ROWS = _B * _L
_RPW = _ROWS // _NW
_WPB = _NW // _B
_CHUNK = 16
_NCHUNK = _RPW // _CHUNK
_NBUF = 8
_PF = 6


def _gather_body(in_hbm, idx_hbm, out_hbm, idx_v, bufs, gsems, ssems):
    wid = lax.axis_index("s") * _NC + lax.axis_index("c")
    base = wid * _RPW
    boff = (wid // _WPB) * _T

    pltpu.sync_copy(idx_hbm.at[pl.ds(base, _RPW)], idx_v)

    def fix(c):
        sl = pl.ds(c * _CHUNK, _CHUNK)
        idx_v[sl] = jnp.maximum(idx_v[sl], 0) + boff

    def gather(c, b):
        return pltpu.make_async_copy(
            in_hbm.at[idx_v.at[pl.ds(c * _CHUNK, _CHUNK)]], bufs[b], gsems[b]
        )

    def scatter(c, b):
        return pltpu.make_async_copy(
            bufs[b], out_hbm.at[pl.ds(base + c * _CHUNK, _CHUNK)], ssems[b]
        )

    for p in range(_PF):
        fix(p)
        gather(p, p).start()

    def group(g, carry):
        for b in range(_NBUF):
            c = g * _NBUF + b
            p = c + _PF
            pb = (b + _PF) % _NBUF

            @pl.when(p < _NCHUNK)
            def _():
                @pl.when(p - _NBUF >= 0)
                def _():
                    scatter(p - _NBUF, pb).wait()

                fix(p)
                gather(p, pb).start()

            gather(c, b).wait()
            scatter(c, b).start()
        return carry

    lax.fori_loop(0, _NCHUNK // _NBUF, group, 0)
    for c in range(_NCHUNK - _NBUF, _NCHUNK):
        scatter(c, c % _NBUF).wait()


@jax.jit
def _gather(flat_in, flat_idx):
    mesh = plsc.VectorSubcoreMesh(core_axis_name="c", subcore_axis_name="s")
    return pl.kernel(
        _gather_body,
        out_type=jax.ShapeDtypeStruct((_ROWS, _D), jnp.float32),
        mesh=mesh,
        scratch_types=[
            pltpu.VMEM((_RPW,), jnp.int32),
            [pltpu.VMEM((_CHUNK, _D), jnp.float32) for _ in range(_NBUF)],
            [pltpu.SemaphoreType.DMA for _ in range(_NBUF)],
            [pltpu.SemaphoreType.DMA for _ in range(_NBUF)],
        ],
    )(flat_in, flat_idx)


def kernel(inputs, word_ids):
    flat_in = inputs.reshape(_B * _T, _D)
    flat_idx = word_ids.astype(jnp.int32).reshape(_ROWS)
    out = _gather(flat_in, flat_idx)
    return out.reshape(_B, _L, _D)

# --- scband reference (transcript-rebuilt; emitter-appended) ---
"""Pipeline reference for scband-gather-layer-47485158425197 (READ-ONLY COPY).

The authoritative reference and input builder live on the scoring server;
editing this copy changes nothing except your own understanding.
"""

import jax, jax.numpy as jnp
import numpy as np

B, T, D = 4, 8192, 768
L = 8192

def setup_inputs(seed: int = 0) -> dict:
    key = jax.random.key(seed)
    k1, k2 = jax.random.split(key)
    inputs = jax.random.normal(k1, (B, T, D), dtype=jnp.float32)
    # include some -1 pad values, which the layer clamps to 0
    word_ids = jax.random.randint(k2, (B, L), -1, T, dtype=jnp.int64)
    return {"inputs": inputs, "word_ids": word_ids}

def reference(inputs, word_ids):
    # GatherLayer: take_along_axis(inputs, expand_dims(maximum(word_ids, 0), -1), axis=1)
    idx = jnp.maximum(word_ids, 0)
    idx = jnp.expand_dims(idx, axis=-1)  # [B, L, 1]
    out = jnp.take_along_axis(inputs, idx, axis=1)  # [B, L, D]
    return out

if __name__ == "__main__":
    import jax
    _d = setup_inputs()
    print(jax.jit(kernel)(*tuple(_d.values())))

</pallas_src>

<mosaic_0001>
#map = affine_map<(d0, d1) -> (0, 0)>
#map1 = affine_map<(d0, d1) -> (0)>
module attributes {stable_mosaic.version = 14 : i64} {
  func.func @_gather_body(%arg0: i32, %arg1: i32, %arg2: memref<32768x768xf32, #tpu.memory_space<hbm>>, %arg3: memref<32768xi32, #tpu.memory_space<hbm>>, %arg4: memref<32768x768xf32, #tpu.memory_space<hbm>>, %arg5: memref<1024xi32, #tpu.memory_space<vmem>>, %arg6: memref<16x768xf32, #tpu.memory_space<vmem>>, %arg7: memref<16x768xf32, #tpu.memory_space<vmem>>, %arg8: memref<16x768xf32, #tpu.memory_space<vmem>>, %arg9: memref<16x768xf32, #tpu.memory_space<vmem>>, %arg10: memref<16x768xf32, #tpu.memory_space<vmem>>, %arg11: memref<16x768xf32, #tpu.memory_space<vmem>>, %arg12: memref<16x768xf32, #tpu.memory_space<vmem>>, %arg13: memref<16x768xf32, #tpu.memory_space<vmem>>, %arg14: memref<!tpu.dma_semaphore, #tpu.memory_space<semaphore_mem>>, %arg15: memref<!tpu.dma_semaphore, #tpu.memory_space<semaphore_mem>>, %arg16: memref<!tpu.dma_semaphore, #tpu.memory_space<semaphore_mem>>, %arg17: memref<!tpu.dma_semaphore, #tpu.memory_space<semaphore_mem>>, %arg18: memref<!tpu.dma_semaphore, #tpu.memory_space<semaphore_mem>>, %arg19: memref<!tpu.dma_semaphore, #tpu.memory_space<semaphore_mem>>, %arg20: memref<!tpu.dma_semaphore, #tpu.memory_space<semaphore_mem>>, %arg21: memref<!tpu.dma_semaphore, #tpu.memory_space<semaphore_mem>>, %arg22: memref<!tpu.dma_semaphore, #tpu.memory_space<semaphore_mem>>, %arg23: memref<!tpu.dma_semaphore, #tpu.memory_space<semaphore_mem>>, %arg24: memref<!tpu.dma_semaphore, #tpu.memory_space<semaphore_mem>>, %arg25: memref<!tpu.dma_semaphore, #tpu.memory_space<semaphore_mem>>, %arg26: memref<!tpu.dma_semaphore, #tpu.memory_space<semaphore_mem>>, %arg27: memref<!tpu.dma_semaphore, #tpu.memory_space<semaphore_mem>>, %arg28: memref<!tpu.dma_semaphore, #tpu.memory_space<semaphore_mem>>, %arg29: memref<!tpu.dma_semaphore, #tpu.memory_space<semaphore_mem>>) attributes {dimension_semantics = [#tpu.dimension_semantics<core_parallel>, #tpu.dimension_semantics<subcore_parallel>], iteration_bounds = array<i64: 2, 16>, scalar_prefetch = 0 : i64, scratch_operands = 25 : i64, tpu.core_type = #tpu.core_type<sc_vector_subcore>, window_params = [{transform_indices = #map}, {transform_indices = #map1}, {transform_indices = #map}]} {
    %mul3A = arith.constant 2 : i32
    %mul3A_0 = arith.muli %arg1, %mul3A : i32
    %add3A = arith.addi %mul3A_0, %arg0 : i32
    %mul3A_1 = arith.constant 1024 : i32
    %mul3A_2 = arith.muli %add3A, %mul3A_1 : i32
    %jit3A = arith.constant 8 : i32
    %div3A = arith.divsi %add3A, %jit3A : i32
    %sign3A = arith.constant 0 : i32
    %sign3A_3 = arith.cmpi sgt, %add3A, %sign3A : i32
    %sign3A_4 = arith.extui %sign3A_3 : i1 to i32
    %sign3A_5 = arith.constant 0 : i32
    %sign3A_6 = arith.cmpi slt, %add3A, %sign3A_5 : i32
    %sign3A_7 = arith.extui %sign3A_6 : i1 to i32
    %sign3A_8 = arith.subi %sign3A_4, %sign3A_7 : i32
    %sign3A_9 = arith.constant 0 : i32
    %sign3A_10 = arith.cmpi sgt, %jit3A, %sign3A_9 : i32
    %sign3A_11 = arith.extui %sign3A_10 : i1 to i32
    %sign3A_12 = arith.constant 0 : i32
    %sign3A_13 = arith.cmpi slt, %jit3A, %sign3A_12 : i32
    %sign3A_14 = arith.extui %sign3A_13 : i1 to i32
    %sign3A_15 = arith.subi %sign3A_11, %sign3A_14 : i32
    %ne3A = arith.cmpi ne, %sign3A_8, %sign3A_15 : i32
    %rem3A = arith.remsi %add3A, %jit3A : i32
    %ne3A_16 = arith.constant 0 : i32
    %ne3A_17 = arith.cmpi ne, %rem3A, %ne3A_16 : i32
    %and3A = arith.andi %ne3A, %ne3A_17 : i1
    %sub3A = arith.constant 1 : i32
    %sub3A_18 = arith.subi %div3A, %sub3A : i32
    %select_n3A = arith.select %and3A, %sub3A_18, %div3A : i32
    %mul3A_19 = arith.constant 8192 : i32
    %mul3A_20 = arith.muli %select_n3A, %mul3A_19 : i32
    "tpu.region"() ({
      %run_scoped3A = tpu.sem_alloc : memref<!tpu.dma_semaphore, #tpu.memory_space<semaphore_mem>>
      %dma_start3A_171 = tpu.memref_slice %arg3[%mul3A_2] : memref<32768xi32, #tpu.memory_space<hbm>> -> memref<1024xi32, #tpu.memory_space<hbm>>
      %dma_start3A_172 = tpu.memref_slice %arg3[%mul3A_2] : memref<32768xi32, #tpu.memory_space<hbm>> -> memref<1024xi32, #tpu.memory_space<hbm>>
      tpu.enqueue_dma source(%dma_start3A_172 : memref<1024xi32, #tpu.memory_space<hbm>>) target(%arg5 : memref<1024xi32, #tpu.memory_space<vmem>>) target_semaphore(%run_scoped3A : memref<!tpu.dma_semaphore, #tpu.memory_space<semaphore_mem>>)
      %dma_wait3A_173 = tpu.memref_slice %arg3[%mul3A_2] : memref<32768xi32, #tpu.memory_space<hbm>> -> memref<1024xi32, #tpu.memory_space<hbm>>
      %dma_wait3A_174 = tpu.memref_slice %arg3[%mul3A_2] : memref<32768xi32, #tpu.memory_space<hbm>> -> memref<1024xi32, #tpu.memory_space<hbm>>
      tpu.wait_dma2 semaphore(%run_scoped3A : memref<!tpu.dma_semaphore, #tpu.memory_space<semaphore_mem>>) src(%dma_wait3A_174 : memref<1024xi32, #tpu.memory_space<hbm>>) dst(%arg5 : memref<1024xi32, #tpu.memory_space<vmem>>)
      tpu.yield
    }) : () -> ()
    %get3A = arith.constant 0 : index
    %get3A_21 = tpu.vector_load %arg5[%get3A] {strides = array<i32>} : memref<1024xi32, #tpu.memory_space<vmem>>, vector<16xi32>,
    %get3A_22 = vector.shape_cast %get3A_21 : vector<16xi32> to vector<16xi32>
    %max3A = arith.constant 0 : i32
    %max3A_23 = vector.broadcast %max3A : i32 to vector<16xi32>
    %max3A_24 = arith.maxsi %get3A_22, %max3A_23 : vector<16xi32>
    %add3A_25 = vector.broadcast %mul3A_20 : i32 to vector<16xi32>
    %add3A_26 = arith.addi %max3A_24, %add3A_25 : vector<16xi32>
    %swap3A = arith.constant 0 : index
    %swap3A_27 = tpu.vector_load %arg5[%swap3A] {strides = array<i32>} : memref<1024xi32, #tpu.memory_space<vmem>>, vector<16xi32>,
    %swap3A_28 = vector.shape_cast %swap3A_27 : vector<16xi32> to vector<16xi32>
    %swap3A_29 = vector.shape_cast %add3A_26 : vector<16xi32> to vector<16xi32>
    tpu.vector_store %arg5[%swap3A], %swap3A_29 {strides = array<i32>} : memref<1024xi32, #tpu.memory_space<vmem>>, vector<16xi32>,
    %dma_start3A = arith.constant 0 : i32
    %dma_start3A_30 = tpu.memref_slice %arg5[%dma_start3A] : memref<1024xi32, #tpu.memory_space<vmem>> -> memref<16xi32, #tpu.memory_space<vmem>>
    %dma_start3A_31 = arith.constant 0 : i32
    %dma_start3A_32 = arith.constant 0 : i32
    %dma_start3A_33 = tpu.memref_slice %arg2[%dma_start3A_31, %dma_start3A_32] : memref<32768x768xf32, #tpu.memory_space<hbm>> -> memref<32768x768xf32, #tpu.memory_space<hbm>>
    tpu.enqueue_indirect_dma source(%dma_start3A_33 : memref<32768x768xf32, #tpu.memory_space<hbm>>) target(%arg6 : memref<16x768xf32, #tpu.memory_space<vmem>>) offsets(%dma_start3A_30 : memref<16xi32, #tpu.memory_space<vmem>>) semaphore(%arg14 : memref<!tpu.dma_semaphore, #tpu.memory_space<semaphore_mem>>)
    %get3A_34 = arith.constant 16 : index
    %get3A_35 = tpu.vector_load %arg5[%get3A_34] {strides = array<i32>} : memref<1024xi32, #tpu.memory_space<vmem>>, vector<16xi32>,
    %get3A_36 = vector.shape_cast %get3A_35 : vector<16xi32> to vector<16xi32>
    %max3A_37 = arith.constant 0 : i32
    %max3A_38 = vector.broadcast %max3A_37 : i32 to vector<16xi32>
    %max3A_39 = arith.maxsi %get3A_36, %max3A_38 : vector<16xi32>
    %add3A_40 = vector.broadcast %mul3A_20 : i32 to vector<16xi32>
    %add3A_41 = arith.addi %max3A_39, %add3A_40 : vector<16xi32>
    %swap3A_42 = arith.constant 16 : index
    %swap3A_43 = tpu.vector_load %arg5[%swap3A_42] {strides = array<i32>} : memref<1024xi32, #tpu.memory_space<vmem>>, vector<16xi32>,
    %swap3A_44 = vector.shape_cast %swap3A_43 : vector<16xi32> to vector<16xi32>
    %swap3A_45 = vector.shape_cast %add3A_41 : vector<16xi32> to vector<16xi32>
    tpu.vector_store %arg5[%swap3A_42], %swap3A_45 {strides = array<i32>} : memref<1024xi32, #tpu.memory_space<vmem>>, vector<16xi32>,
    %dma_start3A_46 = arith.constant 16 : i32
    %dma_start3A_47 = tpu.memref_slice %arg5[%dma_start3A_46] : memref<1024xi32, #tpu.memory_space<vmem>> -> memref<16xi32, #tpu.memory_space<vmem>>
    %dma_start3A_48 = arith.constant 0 : i32
    %dma_start3A_49 = arith.constant 0 : i32
    %dma_start3A_50 = tpu.memref_slice %arg2[%dma_start3A_48, %dma_start3A_49] : memref<32768x768xf32, #tpu.memory_space<hbm>> -> memref<32768x768xf32, #tpu.memory_space<hbm>>
    tpu.enqueue_indirect_dma source(%dma_start3A_50 : memref<32768x768xf32, #tpu.memory_space<hbm>>) target(%arg7 : memref<16x768xf32, #tpu.memory_space<vmem>>) offsets(%dma_start3A_47 : memref<16xi32, #tpu.memory_space<vmem>>) semaphore(%arg15 : memref<!tpu.dma_semaphore, #tpu.memory_space<semaphore_mem>>)
    %get3A_51 = arith.constant 32 : index
    %get3A_52 = tpu.vector_load %arg5[%get3A_51] {strides = array<i32>} : memref<1024xi32, #tpu.memory_space<vmem>>, vector<16xi32>,
    %get3A_53 = vector.shape_cast %get3A_52 : vector<16xi32> to vector<16xi32>
    %max3A_54 = arith.constant 0 : i32
    %max3A_55 = vector.broadcast %max3A_54 : i32 to vector<16xi32>
    %max3A_56 = arith.maxsi %get3A_53, %max3A_55 : vector<16xi32>
    %add3A_57 = vector.broadcast %mul3A_20 : i32 to vector<16xi32>
    %add3A_58 = arith.addi %max3A_56, %add3A_57 : vector<16xi32>
    %swap3A_59 = arith.constant 32 : index
    %swap3A_60 = tpu.vector_load %arg5[%swap3A_59] {strides = array<i32>} : memref<1024xi32, #tpu.memory_space<vmem>>, vector<16xi32>,
    %swap3A_61 = vector.shape_cast %swap3A_60 : vector<16xi32> to vector<16xi32>
    %swap3A_62 = vector.shape_cast %add3A_58 : vector<16xi32> to vector<16xi32>
    tpu.vector_store %arg5[%swap3A_59], %swap3A_62 {strides = array<i32>} : memref<1024xi32, #tpu.memory_space<vmem>>, vector<16xi32>,
    %dma_start3A_63 = arith.constant 32 : i32
    %dma_start3A_64 = tpu.memref_slice %arg5[%dma_start3A_63] : memref<1024xi32, #tpu.memory_space<vmem>> -> memref<16xi32, #tpu.memory_space<vmem>>
    %dma_start3A_65 = arith.constant 0 : i32
    %dma_start3A_66 = arith.constant 0 : i32
    %dma_start3A_67 = tpu.memref_slice %arg2[%dma_start3A_65, %dma_start3A_66] : memref<32768x768xf32, #tpu.memory_space<hbm>> -> memref<32768x768xf32, #tpu.memory_space<hbm>>
    tpu.enqueue_indirect_dma source(%dma_start3A_67 : memref<32768x768xf32, #tpu.memory_space<hbm>>) target(%arg8 : memref<16x768xf32, #tpu.memory_space<vmem>>) offsets(%dma_start3A_64 : memref<16xi32, #tpu.memory_space<vmem>>) semaphore(%arg16 : memref<!tpu.dma_semaphore, #tpu.memory_space<semaphore_mem>>)
    %get3A_68 = arith.constant 48 : index
    %get3A_69 = tpu.vector_load %arg5[%get3A_68] {strides = array<i32>} : memref<1024xi32, #tpu.memory_space<vmem>>, vector<16xi32>,
    %get3A_70 = vector.shape_cast %get3A_69 : vector<16xi32> to vector<16xi32>
    %max3A_71 = arith.constant 0 : i32
    %max3A_72 = vector.broadcast %max3A_71 : i32 to vector<16xi32>
    %max3A_73 = arith.maxsi %get3A_70, %max3A_72 : vector<16xi32>
    %add3A_74 = vector.broadcast %mul3A_20 : i32 to vector<16xi32>
    %add3A_75 = arith.addi %max3A_73, %add3A_74 : vector<16xi32>
    %swap3A_76 = arith.constant 48 : index
    %swap3A_77 = tpu.vector_load %arg5[%swap3A_76] {strides = array<i32>} : memref<1024xi32, #tpu.memory_space<vmem>>, vector<16xi32>,
    %swap3A_78 = vector.shape_cast %swap3A_77 : vector<16xi32> to vector<16xi32>
    %swap3A_79 = vector.shape_cast %add3A_75 : vector<16xi32> to vector<16xi32>
    tpu.vector_store %arg5[%swap3A_76], %swap3A_79 {strides = array<i32>} : memref<1024xi32, #tpu.memory_space<vmem>>, vector<16xi32>,
    %dma_start3A_80 = arith.constant 48 : i32
    %dma_start3A_81 = tpu.memref_slice %arg5[%dma_start3A_80] : memref<1024xi32, #tpu.memory_space<vmem>> -> memref<16xi32, #tpu.memory_space<vmem>>
    %dma_start3A_82 = arith.constant 0 : i32
    %dma_start3A_83 = arith.constant 0 : i32
    %dma_start3A_84 = tpu.memref_slice %arg2[%dma_start3A_82, %dma_start3A_83] : memref<32768x768xf32, #tpu.memory_space<hbm>> -> memref<32768x768xf32, #tpu.memory_space<hbm>>
    tpu.enqueue_indirect_dma source(%dma_start3A_84 : memref<32768x768xf32, #tpu.memory_space<hbm>>) target(%arg9 : memref<16x768xf32, #tpu.memory_space<vmem>>) offsets(%dma_start3A_81 : memref<16xi32, #tpu.memory_space<vmem>>) semaphore(%arg17 : memref<!tpu.dma_semaphore, #tpu.memory_space<semaphore_mem>>)
    %get3A_85 = arith.constant 64 : index
    %get3A_86 = tpu.vector_load %arg5[%get3A_85] {strides = array<i32>} : memref<1024xi32, #tpu.memory_space<vmem>>, vector<16xi32>,
    %get3A_87 = vector.shape_cast %get3A_86 : vector<16xi32> to vector<16xi32>
    %max3A_88 = arith.constant 0 : i32
    %max3A_89 = vector.broadcast %max3A_88 : i32 to vector<16xi32>
    %max3A_90 = arith.maxsi %get3A_87, %max3A_89 : vector<16xi32>
    %add3A_91 = vector.broadcast %mul3A_20 : i32 to vector<16xi32>
    %add3A_92 = arith.addi %max3A_90, %add3A_91 : vector<16xi32>
    %swap3A_93 = arith.constant 64 : index
    %swap3A_94 = tpu.vector_load %arg5[%swap3A_93] {strides = array<i32>} : memref<1024xi32, #tpu.memory_space<vmem>>, vector<16xi32>,
    %swap3A_95 = vector.shape_cast %swap3A_94 : vector<16xi32> to vector<16xi32>
    %swap3A_96 = vector.shape_cast %add3A_92 : vector<16xi32> to vector<16xi32>
    tpu.vector_store %arg5[%swap3A_93], %swap3A_96 {strides = array<i32>} : memref<1024xi32, #tpu.memory_space<vmem>>, vector<16xi32>,
    %dma_start3A_97 = arith.constant 64 : i32
    %dma_start3A_98 = tpu.memref_slice %arg5[%dma_start3A_97] : memref<1024xi32, #tpu.memory_space<vmem>> -> memref<16xi32, #tpu.memory_space<vmem>>
    %dma_start3A_99 = arith.constant 0 : i32
    %dma_start3A_100 = arith.constant 0 : i32
    %dma_start3A_101 = tpu.memref_slice %arg2[%dma_start3A_99, %dma_start3A_100] : memref<32768x768xf32, #tpu.memory_space<hbm>> -> memref<32768x768xf32, #tpu.memory_space<hbm>>
    tpu.enqueue_indirect_dma source(%dma_start3A_101 : memref<32768x768xf32, #tpu.memory_space<hbm>>) target(%arg10 : memref<16x768xf32, #tpu.memory_space<vmem>>) offsets(%dma_start3A_98 : memref<16xi32, #tpu.memory_space<vmem>>) semaphore(%arg18 : memref<!tpu.dma_semaphore, #tpu.memory_space<semaphore_mem>>)
    %get3A_102 = arith.constant 80 : index
    %get3A_103 = tpu.vector_load %arg5[%get3A_102] {strides = array<i32>} : memref<1024xi32, #tpu.memory_space<vmem>>, vector<16xi32>,
    %get3A_104 = vector.shape_cast %get3A_103 : vector<16xi32> to vector<16xi32>
    %max3A_105 = arith.constant 0 : i32
    %max3A_106 = vector.broadcast %max3A_105 : i32 to vector<16xi32>
    %max3A_107 = arith.maxsi %get3A_104, %max3A_106 : vector<16xi32>
    %add3A_108 = vector.broadcast %mul3A_20 : i32 to vector<16xi32>
    %add3A_109 = arith.addi %max3A_107, %add3A_108 : vector<16xi32>
    %swap3A_110 = arith.constant 80 : index
    %swap3A_111 = tpu.vector_load %arg5[%swap3A_110] {strides = array<i32>} : memref<1024xi32, #tpu.memory_space<vmem>>, vector<16xi32>,
    %swap3A_112 = vector.shape_cast %swap3A_111 : vector<16xi32> to vector<16xi32>
    %swap3A_113 = vector.shape_cast %add3A_109 : vector<16xi32> to vector<16xi32>
    tpu.vector_store %arg5[%swap3A_110], %swap3A_113 {strides = array<i32>} : memref<1024xi32, #tpu.memory_space<vmem>>, vector<16xi32>,
    %dma_start3A_114 = arith.constant 80 : i32
    %dma_start3A_115 = tpu.memref_slice %arg5[%dma_start3A_114] : memref<1024xi32, #tpu.memory_space<vmem>> -> memref<16xi32, #tpu.memory_space<vmem>>
    %dma_start3A_116 = arith.constant 0 : i32
    %dma_start3A_117 = arith.constant 0 : i32
    %dma_start3A_118 = tpu.memref_slice %arg2[%dma_start3A_116, %dma_start3A_117] : memref<32768x768xf32, #tpu.memory_space<hbm>> -> memref<32768x768xf32, #tpu.memory_space<hbm>>
    tpu.enqueue_indirect_dma source(%dma_start3A_118 : memref<32768x768xf32, #tpu.memory_space<hbm>>) target(%arg11 : memref<16x768xf32, #tpu.memory_space<vmem>>) offsets(%dma_start3A_115 : memref<16xi32, #tpu.memory_space<vmem>>) semaphore(%arg19 : memref<!tpu.dma_semaphore, #tpu.memory_space<semaphore_mem>>)
    %scan3A = arith.constant 0 : i32
    %scan3A_119 = arith.constant 0 : i32
    %scan3A_120 = arith.constant 8 : i32
    %scan3A_121 = arith.addi %scan3A_119, %scan3A_120 : i32
    %scan3A_122 = arith.constant 1 : i32
    scf.for %scan3A_171 = %scan3A_119 to %scan3A_121 step %scan3A_122  : i32 {
      %mul3A_172 = arith.constant 8 : i32
      %mul3A_173 = arith.muli %scan3A_171, %mul3A_172 : i32
      %add3A_174 = arith.constant 0 : i32
      %add3A_175 = arith.addi %mul3A_173, %add3A_174 : i32
      %add3A_176 = arith.constant 6 : i32
      %add3A_177 = arith.addi %add3A_175, %add3A_176 : i32
      %lt3A = arith.constant 64 : i32
      %lt3A_178 = arith.cmpi slt, %add3A_177, %lt3A : i32
      %convert_element_type3A = arith.extui %lt3A_178 : i1 to i32
      %cond3A = arith.constant 0 : i32
      %cond3A_179 = arith.cmpi ne, %convert_element_type3A, %cond3A : i32
      scf.if %cond3A_179 {
        %sub3A_361 = arith.constant 8 : i32
        %sub3A_362 = arith.subi %add3A_177, %sub3A_361 : i32
        %ge3A = arith.constant 0 : i32
        %ge3A_363 = arith.cmpi sge, %sub3A_362, %ge3A : i32
        %convert_element_type3A_364 = arith.extui %ge3A_363 : i1 to i32
        %cond3A_365 = arith.constant 0 : i32
        %cond3A_366 = arith.cmpi ne, %convert_element_type3A_364, %cond3A_365 : i32
        scf.if %cond3A_366 {
          %sub3A_387 = arith.constant 8 : i32
          %sub3A_388 = arith.subi %add3A_177, %sub3A_387 : i32
          %mul3A_389 = arith.constant 16 : i32
          %mul3A_390 = arith.muli %sub3A_388, %mul3A_389 : i32
          %add3A_391 = arith.addi %mul3A_2, %mul3A_390 : i32
          %dma_wait3A_392 = arith.constant 0 : i32
          %dma_wait3A_393 = tpu.memref_slice %arg4[%add3A_391, %dma_wait3A_392] : memref<32768x768xf32, #tpu.memory_space<hbm>> -> memref<16x768xf32, #tpu.memory_space<hbm>>
          %dma_wait3A_394 = arith.constant 0 : i32
          %dma_wait3A_395 = tpu.memref_slice %arg4[%add3A_391, %dma_wait3A_394] : memref<32768x768xf32, #tpu.memory_space<hbm>> -> memref<16x768xf32, #tpu.memory_space<hbm>>
          tpu.wait_dma2 semaphore(%arg28 : memref<!tpu.dma_semaphore, #tpu.memory_space<semaphore_mem>>) src(%arg12 : memref<16x768xf32, #tpu.memory_space<vmem>>) dst(%dma_wait3A_395 : memref<16x768xf32, #tpu.memory_space<hbm>>)
        } else {
        }
        %mul3A_367 = arith.constant 16 : i32
        %mul3A_368 = arith.muli %add3A_177, %mul3A_367 : i32
        %get3A_369 = arith.index_cast %mul3A_368 : i32 to index
        %get3A_370 = tpu.vector_load %arg5[%get3A_369] {strides = array<i32>} : memref<1024xi32, #tpu.memory_space<vmem>>, vector<16xi32>,
        %get3A_371 = vector.shape_cast %get3A_370 : vector<16xi32> to vector<16xi32>
        %max3A_372 = arith.constant 0 : i32
        %max3A_373 = vector.broadcast %max3A_372 : i32 to vector<16xi32>
        %max3A_374 = arith.maxsi %get3A_371, %max3A_373 : vector<16xi32>
        %add3A_375 = vector.broadcast %mul3A_20 : i32 to vector<16xi32>
        %add3A_376 = arith.addi %max3A_374, %add3A_375 : vector<16xi32>
        %swap3A_377 = arith.index_cast %mul3A_368 : i32 to index
        %swap3A_378 = tpu.vector_load %arg5[%swap3A_377] {strides = array<i32>} : memref<1024xi32, #tpu.memory_space<vmem>>, vector<16xi32>,
        %swap3A_379 = vector.shape_cast %swap3A_378 : vector<16xi32> to vector<16xi32>
        %swap3A_380 = vector.shape_cast %add3A_376 : vector<16xi32> to vector<16xi32>
        tpu.vector_store %arg5[%swap3A_377], %swap3A_380 {strides = array<i32>} : memref<1024xi32, #tpu.memory_space<vmem>>, vector<16xi32>,
        %mul3A_381 = arith.constant 16 : i32
        %mul3A_382 = arith.muli %add3A_177, %mul3A_381 : i32
        %dma_start3A_383 = tpu.memref_slice %arg5[%mul3A_382] : memref<1024xi32, #tpu.memory_space<vmem>> -> memref<16xi32, #tpu.memory_space<vmem>>
        %dma_start3A_384 = arith.constant 0 : i32
        %dma_start3A_385 = arith.constant 0 : i32
        %dma_start3A_386 = tpu.memref_slice %arg2[%dma_start3A_384, %dma_start3A_385] : memref<32768x768xf32, #tpu.memory_space<hbm>> -> memref<32768x768xf32, #tpu.memory_space<hbm>>
        tpu.enqueue_indirect_dma source(%dma_start3A_386 : memref<32768x768xf32, #tpu.memory_space<hbm>>) target(%arg12 : memref<16x768xf32, #tpu.memory_space<vmem>>) offsets(%dma_start3A_383 : memref<16xi32, #tpu.memory_space<vmem>>) semaphore(%arg20 : memref<!tpu.dma_semaphore, #tpu.memory_space<semaphore_mem>>)
      } else {
      }
      %mul3A_180 = arith.constant 16 : i32
      %mul3A_181 = arith.muli %add3A_175, %mul3A_180 : i32
      %dma_wait3A_182 = tpu.memref_slice %arg5[%mul3A_181] : memref<1024xi32, #tpu.memory_space<vmem>> -> memref<16xi32, #tpu.memory_space<vmem>>
      %dma_wait3A_183 = arith.constant 0 : i32
      %dma_wait3A_184 = arith.constant 0 : i32
      %dma_wait3A_185 = tpu.memref_slice %arg2[%dma_wait3A_183, %dma_wait3A_184] : memref<32768x768xf32, #tpu.memory_space<hbm>> -> memref<32768x768xf32, #tpu.memory_space<hbm>>
      tpu.wait_indirect_dma semaphore(%arg14 : memref<!tpu.dma_semaphore, #tpu.memory_space<semaphore_mem>>) src(%dma_wait3A_185 : memref<32768x768xf32, #tpu.memory_space<hbm>>) dst(%arg6 : memref<16x768xf32, #tpu.memory_space<vmem>>)
      %mul3A_186 = arith.constant 16 : i32
      %mul3A_187 = arith.muli %add3A_175, %mul3A_186 : i32
      %add3A_188 = arith.addi %mul3A_2, %mul3A_187 : i32
      %dma_start3A_189 = arith.constant 0 : i32
      %dma_start3A_190 = tpu.memref_slice %arg4[%add3A_188, %dma_start3A_189] : memref<32768x768xf32, #tpu.memory_space<hbm>> -> memref<16x768xf32, #tpu.memory_space<hbm>>
      %dma_start3A_191 = arith.constant 0 : i32
      %dma_start3A_192 = tpu.memref_slice %arg4[%add3A_188, %dma_start3A_191] : memref<32768x768xf32, #tpu.memory_space<hbm>> -> memref<16x768xf32, #tpu.memory_space<hbm>>
      tpu.enqueue_dma source(%arg6 : memref<16x768xf32, #tpu.memory_space<vmem>>) target(%dma_start3A_192 : memref<16x768xf32, #tpu.memory_space<hbm>>) target_semaphore(%arg22 : memref<!tpu.dma_semaphore, #tpu.memory_space<semaphore_mem>>)
      %mul3A_193 = arith.constant 8 : i32
      %mul3A_194 = arith.muli %scan3A_171, %mul3A_193 : i32
      %add3A_195 = arith.constant 1 : i32
      %add3A_196 = arith.addi %mul3A_194, %add3A_195 : i32
      %add3A_197 = arith.constant 6 : i32
      %add3A_198 = arith.addi %add3A_196, %add3A_197 : i32
      %lt3A_199 = arith.constant 64 : i32
      %lt3A_200 = arith.cmpi slt, %add3A_198, %lt3A_199 : i32
      %convert_element_type3A_201 = arith.extui %lt3A_200 : i1 to i32
      %cond3A_202 = arith.constant 0 : i32
      %cond3A_203 = arith.cmpi ne, %convert_element_type3A_201, %cond3A_202 : i32
      scf.if %cond3A_203 {
        %sub3A_361 = arith.constant 8 : i32
        %sub3A_362 = arith.subi %add3A_198, %sub3A_361 : i32
        %ge3A = arith.constant 0 : i32
        %ge3A_363 = arith.cmpi sge, %sub3A_362, %ge3A : i32
        %convert_element_type3A_364 = arith.extui %ge3A_363 : i1 to i32
        %cond3A_365 = arith.constant 0 : i32
        %cond3A_366 = arith.cmpi ne, %convert_element_type3A_364, %cond3A_365 : i32
        scf.if %cond3A_366 {
          %sub3A_387 = arith.constant 8 : i32
          %sub3A_388 = arith.subi %add3A_198, %sub3A_387 : i32
          %mul3A_389 = arith.constant 16 : i32
          %mul3A_390 = arith.muli %sub3A_388, %mul3A_389 : i32
          %add3A_391 = arith.addi %mul3A_2, %mul3A_390 : i32
          %dma_wait3A_392 = arith.constant 0 : i32
          %dma_wait3A_393 = tpu.memref_slice %arg4[%add3A_391, %dma_wait3A_392] : memref<32768x768xf32, #tpu.memory_space<hbm>> -> memref<16x768xf32, #tpu.memory_space<hbm>>
          %dma_wait3A_394 = arith.constant 0 : i32
          %dma_wait3A_395 = tpu.memref_slice %arg4[%add3A_391, %dma_wait3A_394] : memref<32768x768xf32, #tpu.memory_space<hbm>> -> memref<16x768xf32, #tpu.memory_space<hbm>>
          tpu.wait_dma2 semaphore(%arg29 : memref<!tpu.dma_semaphore, #tpu.memory_space<semaphore_mem>>) src(%arg13 : memref<16x768xf32, #tpu.memory_space<vmem>>) dst(%dma_wait3A_395 : memref<16x768xf32, #tpu.memory_space<hbm>>)
        } else {
        }
        %mul3A_367 = arith.constant 16 : i32
        %mul3A_368 = arith.muli %add3A_198, %mul3A_367 : i32
        %get3A_369 = arith.index_cast %mul3A_368 : i32 to index
        %get3A_370 = tpu.vector_load %arg5[%get3A_369] {strides = array<i32>} : memref<1024xi32, #tpu.memory_space<vmem>>, vector<16xi32>,
        %get3A_371 = vector.shape_cast %get3A_370 : vector<16xi32> to vector<16xi32>
        %max3A_372 = arith.constant 0 : i32
        %max3A_373 = vector.broadcast %max3A_372 : i32 to vector<16xi32>
        %max3A_374 = arith.maxsi %get3A_371, %max3A_373 : vector<16xi32>
        %add3A_375 = vector.broadcast %mul3A_20 : i32 to vector<16xi32>
        %add3A_376 = arith.addi %max3A_374, %add3A_375 : vector<16xi32>
        %swap3A_377 = arith.index_cast %mul3A_368 : i32 to index
        %swap3A_378 = tpu.vector_load %arg5[%swap3A_377] {strides = array<i32>} : memref<1024xi32, #tpu.memory_space<vmem>>, vector<16xi32>,
        %swap3A_379 = vector.shape_cast %swap3A_378 : vector<16xi32> to vector<16xi32>
        %swap3A_380 = vector.shape_cast %add3A_376 : vector<16xi32> to vector<16xi32>
        tpu.vector_store %arg5[%swap3A_377], %swap3A_380 {strides = array<i32>} : memref<1024xi32, #tpu.memory_space<vmem>>, vector<16xi32>,
        %mul3A_381 = arith.constant 16 : i32
        %mul3A_382 = arith.muli %add3A_198, %mul3A_381 : i32
        %dma_start3A_383 = tpu.memref_slice %arg5[%mul3A_382] : memref<1024xi32, #tpu.memory_space<vmem>> -> memref<16xi32, #tpu.memory_space<vmem>>
        %dma_start3A_384 = arith.constant 0 : i32
        %dma_start3A_385 = arith.constant 0 : i32
        %dma_start3A_386 = tpu.memref_slice %arg2[%dma_start3A_384, %dma_start3A_385] : memref<32768x768xf32, #tpu.memory_space<hbm>> -> memref<32768x768xf32, #tpu.memory_space<hbm>>
        tpu.enqueue_indirect_dma source(%dma_start3A_386 : memref<32768x768xf32, #tpu.memory_space<hbm>>) target(%arg13 : memref<16x768xf32, #tpu.memory_space<vmem>>) offsets(%dma_start3A_383 : memref<16xi32, #tpu.memory_space<vmem>>) semaphore(%arg21 : memref<!tpu.dma_semaphore, #tpu.memory_space<semaphore_mem>>)
      } else {
      }
      %mul3A_204 = arith.constant 16 : i32
      %mul3A_205 = arith.muli %add3A_196, %mul3A_204 : i32
      %dma_wait3A_206 = tpu.memref_slice %arg5[%mul3A_205] : memref<1024xi32, #tpu.memory_space<vmem>> -> memref<16xi32, #tpu.memory_space<vmem>>
      %dma_wait3A_207 = arith.constant 0 : i32
      %dma_wait3A_208 = arith.constant 0 : i32
      %dma_wait3A_209 = tpu.memref_slice %arg2[%dma_wait3A_207, %dma_wait3A_208] : memref<32768x768xf32, #tpu.memory_space<hbm>> -> memref<32768x768xf32, #tpu.memory_space<hbm>>
      tpu.wait_indirect_dma semaphore(%arg15 : memref<!tpu.dma_semaphore, #tpu.memory_space<semaphore_mem>>) src(%dma_wait3A_209 : memref<32768x768xf32, #tpu.memory_space<hbm>>) dst(%arg7 : memref<16x768xf32, #tpu.memory_space<vmem>>)
      %mul3A_210 = arith.constant 16 : i32
      %mul3A_211 = arith.muli %add3A_196, %mul3A_210 : i32
      %add3A_212 = arith.addi %mul3A_2, %mul3A_211 : i32
      %dma_start3A_213 = arith.constant 0 : i32
      %dma_start3A_214 = tpu.memref_slice %arg4[%add3A_212, %dma_start3A_213] : memref<32768x768xf32, #tpu.memory_space<hbm>> -> memref<16x768xf32, #tpu.memory_space<hbm>>
      %dma_start3A_215 = arith.constant 0 : i32
      %dma_start3A_216 = tpu.memref_slice %arg4[%add3A_212, %dma_start3A_215] : memref<32768x768xf32, #tpu.memory_space<hbm>> -> memref<16x768xf32, #tpu.memory_space<hbm>>
      tpu.enqueue_dma source(%arg7 : memref<16x768xf32, #tpu.memory_space<vmem>>) target(%dma_start3A_216 : memref<16x768xf32, #tpu.memory_space<hbm>>) target_semaphore(%arg23 : memref<!tpu.dma_semaphore, #tpu.memory_space<semaphore_mem>>)
      %mul3A_217 = arith.constant 8 : i32
      %mul3A_218 = arith.muli %scan3A_171, %mul3A_217 : i32
      %add3A_219 = arith.constant 2 : i32
      %add3A_220 = arith.addi %mul3A_218, %add3A_219 : i32
      %add3A_221 = arith.constant 6 : i32
      %add3A_222 = arith.addi %add3A_220, %add3A_221 : i32
      %lt3A_223 = arith.constant 64 : i32
      %lt3A_224 = arith.cmpi slt, %add3A_222, %lt3A_223 : i32
      %convert_element_type3A_225 = arith.extui %lt3A_224 : i1 to i32
      %cond3A_226 = arith.constant 0 : i32
      %cond3A_227 = arith.cmpi ne, %convert_element_type3A_225, %cond3A_226 : i32
      scf.if %cond3A_227 {
        %sub3A_361 = arith.constant 8 : i32
        %sub3A_362 = arith.subi %add3A_222, %sub3A_361 : i32
        %ge3A = arith.constant 0 : i32
        %ge3A_363 = arith.cmpi sge, %sub3A_362, %ge3A : i32
        %convert_element_type3A_364 = arith.extui %ge3A_363 : i1 to i32
        %cond3A_365 = arith.constant 0 : i32
        %cond3A_366 = arith.cmpi ne, %convert_element_type3A_364, %cond3A_365 : i32
        scf.if %cond3A_366 {
          %sub3A_387 = arith.constant 8 : i32
          %sub3A_388 = arith.subi %add3A_222, %sub3A_387 : i32
          %mul3A_389 = arith.constant 16 : i32
          %mul3A_390 = arith.muli %sub3A_388, %mul3A_389 : i32
          %add3A_391 = arith.addi %mul3A_2, %mul3A_390 : i32
          %dma_wait3A_392 = arith.constant 0 : i32
          %dma_wait3A_393 = tpu.memref_slice %arg4[%add3A_391, %dma_wait3A_392] : memref<32768x768xf32, #tpu.memory_space<hbm>> -> memref<16x768xf32, #tpu.memory_space<hbm>>
          %dma_wait3A_394 = arith.constant 0 : i32
          %dma_wait3A_395 = tpu.memref_slice %arg4[%add3A_391, %dma_wait3A_394] : memref<32768x768xf32, #tpu.memory_space<hbm>> -> memref<16x768xf32, #tpu.memory_space<hbm>>
          tpu.wait_dma2 semaphore(%arg22 : memref<!tpu.dma_semaphore, #tpu.memory_space<semaphore_mem>>) src(%arg6 : memref<16x768xf32, #tpu.memory_space<vmem>>) dst(%dma_wait3A_395 : memref<16x768xf32, #tpu.memory_space<hbm>>)
        } else {
        }
        %mul3A_367 = arith.constant 16 : i32
        %mul3A_368 = arith.muli %add3A_222, %mul3A_367 : i32
        %get3A_369 = arith.index_cast %mul3A_368 : i32 to index
        %get3A_370 = tpu.vector_load %arg5[%get3A_369] {strides = array<i32>} : memref<1024xi32, #tpu.memory_space<vmem>>, vector<16xi32>,
        %get3A_371 = vector.shape_cast %get3A_370 : vector<16xi32> to vector<16xi32>
        %max3A_372 = arith.constant 0 : i32
        %max3A_373 = vector.broadcast %max3A_372 : i32 to vector<16xi32>
        %max3A_374 = arith.maxsi %get3A_371, %max3A_373 : vector<16xi32>
        %add3A_375 = vector.broadcast %mul3A_20 : i32 to vector<16xi32>
        %add3A_376 = arith.addi %max3A_374, %add3A_375 : vector<16xi32>
        %swap3A_377 = arith.index_cast %mul3A_368 : i32 to index
        %swap3A_378 = tpu.vector_load %arg5[%swap3A_377] {strides = array<i32>} : memref<1024xi32, #tpu.memory_space<vmem>>, vector<16xi32>,
        %swap3A_379 = vector.shape_cast %swap3A_378 : vector<16xi32> to vector<16xi32>
        %swap3A_380 = vector.shape_cast %add3A_376 : vector<16xi32> to vector<16xi32>
        tpu.vector_store %arg5[%swap3A_377], %swap3A_380 {strides = array<i32>} : memref<1024xi32, #tpu.memory_space<vmem>>, vector<16xi32>,
        %mul3A_381 = arith.constant 16 : i32
        %mul3A_382 = arith.muli %add3A_222, %mul3A_381 : i32
        %dma_start3A_383 = tpu.memref_slice %arg5[%mul3A_382] : memref<1024xi32, #tpu.memory_space<vmem>> -> memref<16xi32, #tpu.memory_space<vmem>>
        %dma_start3A_384 = arith.constant 0 : i32
        %dma_start3A_385 = arith.constant 0 : i32
        %dma_start3A_386 = tpu.memref_slice %arg2[%dma_start3A_384, %dma_start3A_385] : memref<32768x768xf32, #tpu.memory_space<hbm>> -> memref<32768x768xf32, #tpu.memory_space<hbm>>
        tpu.enqueue_indirect_dma source(%dma_start3A_386 : memref<32768x768xf32, #tpu.memory_space<hbm>>) target(%arg6 : memref<16x768xf32, #tpu.memory_space<vmem>>) offsets(%dma_start3A_383 : memref<16xi32, #tpu.memory_space<vmem>>) semaphore(%arg14 : memref<!tpu.dma_semaphore, #tpu.memory_space<semaphore_mem>>)
      } else {
      }
      %mul3A_228 = arith.constant 16 : i32
      %mul3A_229 = arith.muli %add3A_220, %mul3A_228 : i32
      %dma_wait3A_230 = tpu.memref_slice %arg5[%mul3A_229] : memref<1024xi32, #tpu.memory_space<vmem>> -> memref<16xi32, #tpu.memory_space<vmem>>
      %dma_wait3A_231 = arith.constant 0 : i32
      %dma_wait3A_232 = arith.constant 0 : i32
      %dma_wait3A_233 = tpu.memref_slice %arg2[%dma_wait3A_231, %dma_wait3A_232] : memref<32768x768xf32, #tpu.memory_space<hbm>> -> memref<32768x768xf32, #tpu.memory_space<hbm>>
      tpu.wait_indirect_dma semaphore(%arg16 : memref<!tpu.dma_semaphore, #tpu.memory_space<semaphore_mem>>) src(%dma_wait3A_233 : memref<32768x768xf32, #tpu.memory_space<hbm>>) dst(%arg8 : memref<16x768xf32, #tpu.memory_space<vmem>>)
      %mul3A_234 = arith.constant 16 : i32
      %mul3A_235 = arith.muli %add3A_220, %mul3A_234 : i32
      %add3A_236 = arith.addi %mul3A_2, %mul3A_235 : i32
      %dma_start3A_237 = arith.constant 0 : i32
      %dma_start3A_238 = tpu.memref_slice %arg4[%add3A_236, %dma_start3A_237] : memref<32768x768xf32, #tpu.memory_space<hbm>> -> memref<16x768xf32, #tpu.memory_space<hbm>>
      %dma_start3A_239 = arith.constant 0 : i32
      %dma_start3A_240 = tpu.memref_slice %arg4[%add3A_236, %dma_start3A_239] : memref<32768x768xf32, #tpu.memory_space<hbm>> -> memref<16x768xf32, #tpu.memory_space<hbm>>
      tpu.enqueue_dma source(%arg8 : memref<16x768xf32, #tpu.memory_space<vmem>>) target(%dma_start3A_240 : memref<16x768xf32, #tpu.memory_space<hbm>>) target_semaphore(%arg24 : memref<!tpu.dma_semaphore, #tpu.memory_space<semaphore_mem>>)
      %mul3A_241 = arith.constant 8 : i32
      %mul3A_242 = arith.muli %scan3A_171, %mul3A_241 : i32
      %add3A_243 = arith.constant 3 : i32
      %add3A_244 = arith.addi %mul3A_242, %add3A_243 : i32
      %add3A_245 = arith.constant 6 : i32
      %add3A_246 = arith.addi %add3A_244, %add3A_245 : i32
      %lt3A_247 = arith.constant 64 : i32
      %lt3A_248 = arith.cmpi slt, %add3A_246, %lt3A_247 : i32
      %convert_element_type3A_249 = arith.extui %lt3A_248 : i1 to i32
      %cond3A_250 = arith.constant 0 : i32
      %cond3A_251 = arith.cmpi ne, %convert_element_type3A_249, %cond3A_250 : i32
      scf.if %cond3A_251 {
        %sub3A_361 = arith.constant 8 : i32
        %sub3A_362 = arith.subi %add3A_246, %sub3A_361 : i32
        %ge3A = arith.constant 0 : i32
        %ge3A_363 = arith.cmpi sge, %sub3A_362, %ge3A : i32
        %convert_element_type3A_364 = arith.extui %ge3A_363 : i1 to i32
        %cond3A_365 = arith.constant 0 : i32
        %cond3A_366 = arith.cmpi ne, %convert_element_type3A_364, %cond3A_365 : i32
        scf.if %cond3A_366 {
          %sub3A_387 = arith.constant 8 : i32
          %sub3A_388 = arith.subi %add3A_246, %sub3A_387 : i32
          %mul3A_389 = arith.constant 16 : i32
          %mul3A_390 = arith.muli %sub3A_388, %mul3A_389 : i32
          %add3A_391 = arith.addi %mul3A_2, %mul3A_390 : i32
          %dma_wait3A_392 = arith.constant 0 : i32
          %dma_wait3A_393 = tpu.memref_slice %arg4[%add3A_391, %dma_wait3A_392] : memref<32768x768xf32, #tpu.memory_space<hbm>> -> memref<16x768xf32, #tpu.memory_space<hbm>>
          %dma_wait3A_394 = arith.constant 0 : i32
          %dma_wait3A_395 = tpu.memref_slice %arg4[%add3A_391, %dma_wait3A_394] : memref<32768x768xf32, #tpu.memory_space<hbm>> -> memref<16x768xf32, #tpu.memory_space<hbm>>
          tpu.wait_dma2 semaphore(%arg23 : memref<!tpu.dma_semaphore, #tpu.memory_space<semaphore_mem>>) src(%arg7 : memref<16x768xf32, #tpu.memory_space<vmem>>) dst(%dma_wait3A_395 : memref<16x768xf32, #tpu.memory_space<hbm>>)
        } else {
        }
        %mul3A_367 = arith.constant 16 : i32
        %mul3A_368 = arith.muli %add3A_246, %mul3A_367 : i32
        %get3A_369 = arith.index_cast %mul3A_368 : i32 to index
        %get3A_370 = tpu.vector_load %arg5[%get3A_369] {strides = array<i32>} : memref<1024xi32, #tpu.memory_space<vmem>>, vector<16xi32>,
        %get3A_371 = vector.shape_cast %get3A_370 : vector<16xi32> to vector<16xi32>
        %max3A_372 = arith.constant 0 : i32
        %max3A_373 = vector.broadcast %max3A_372 : i32 to vector<16xi32>
        %max3A_374 = arith.maxsi %get3A_371, %max3A_373 : vector<16xi32>
        %add3A_375 = vector.broadcast %mul3A_20 : i32 to vector<16xi32>
        %add3A_376 = arith.addi %max3A_374, %add3A_375 : vector<16xi32>
        %swap3A_377 = arith.index_cast %mul3A_368 : i32 to index
        %swap3A_378 = tpu.vector_load %arg5[%swap3A_377] {strides = array<i32>} : memref<1024xi32, #tpu.memory_space<vmem>>, vector<16xi32>,
        %swap3A_379 = vector.shape_cast %swap3A_378 : vector<16xi32> to vector<16xi32>
        %swap3A_380 = vector.shape_cast %add3A_376 : vector<16xi32> to vector<16xi32>
        tpu.vector_store %arg5[%swap3A_377], %swap3A_380 {strides = array<i32>} : memref<1024xi32, #tpu.memory_space<vmem>>, vector<16xi32>,
        %mul3A_381 = arith.constant 16 : i32
        %mul3A_382 = arith.muli %add3A_246, %mul3A_381 : i32
        %dma_start3A_383 = tpu.memref_slice %arg5[%mul3A_382] : memref<1024xi32, #tpu.memory_space<vmem>> -> memref<16xi32, #tpu.memory_space<vmem>>
        %dma_start3A_384 = arith.constant 0 : i32
        %dma_start3A_385 = arith.constant 0 : i32
        %dma_start3A_386 = tpu.memref_slice %arg2[%dma_start3A_384, %dma_start3A_385] : memref<32768x768xf32, #tpu.memory_space<hbm>> -> memref<32768x768xf32, #tpu.memory_space<hbm>>
        tpu.enqueue_indirect_dma source(%dma_start3A_386 : memref<32768x768xf32, #tpu.memory_space<hbm>>) target(%arg7 : memref<16x768xf32, #tpu.memory_space<vmem>>) offsets(%dma_start3A_383 : memref<16xi32, #tpu.memory_space<vmem>>) semaphore(%arg15 : memref<!tpu.dma_semaphore, #tpu.memory_space<semaphore_mem>>)
      } else {
      }
      %mul3A_252 = arith.constant 16 : i32
      %mul3A_253 = arith.muli %add3A_244, %mul3A_252 : i32
      %dma_wait3A_254 = tpu.memref_slice %arg5[%mul3A_253] : memref<1024xi32, #tpu.memory_space<vmem>> -> memref<16xi32, #tpu.memory_space<vmem>>
      %dma_wait3A_255 = arith.constant 0 : i32
      %dma_wait3A_256 = arith.constant 0 : i32
      %dma_wait3A_257 = tpu.memref_slice %arg2[%dma_wait3A_255, %dma_wait3A_256] : memref<32768x768xf32, #tpu.memory_space<hbm>> -> memref<32768x768xf32, #tpu.memory_space<hbm>>
      tpu.wait_indirect_dma semaphore(%arg17 : memref<!tpu.dma_semaphore, #tpu.memory_space<semaphore_mem>>) src(%dma_wait3A_257 : memref<32768x768xf32, #tpu.memory_space<hbm>>) dst(%arg9 : memref<16x768xf32, #tpu.memory_space<vmem>>)
      %mul3A_258 = arith.constant 16 : i32
      %mul3A_259 = arith.muli %add3A_244, %mul3A_258 : i32
      %add3A_260 = arith.addi %mul3A_2, %mul3A_259 : i32
      %dma_start3A_261 = arith.constant 0 : i32
      %dma_start3A_262 = tpu.memref_slice %arg4[%add3A_260, %dma_start3A_261] : memref<32768x768xf32, #tpu.memory_space<hbm>> -> memref<16x768xf32, #tpu.memory_space<hbm>>
      %dma_start3A_263 = arith.constant 0 : i32
      %dma_start3A_264 = tpu.memref_slice %arg4[%add3A_260, %dma_start3A_263] : memref<32768x768xf32, #tpu.memory_space<hbm>> -> memref<16x768xf32, #tpu.memory_space<hbm>>
      tpu.enqueue_dma source(%arg9 : memref<16x768xf32, #tpu.memory_space<vmem>>) target(%dma_start3A_264 : memref<16x768xf32, #tpu.memory_space<hbm>>) target_semaphore(%arg25 : memref<!tpu.dma_semaphore, #tpu.memory_space<semaphore_mem>>)
      %mul3A_265 = arith.constant 8 : i32
      %mul3A_266 = arith.muli %scan3A_171, %mul3A_265 : i32
      %add3A_267 = arith.constant 4 : i32
      %add3A_268 = arith.addi %mul3A_266, %add3A_267 : i32
      %add3A_269 = arith.constant 6 : i32
      %add3A_270 = arith.addi %add3A_268, %add3A_269 : i32
      %lt3A_271 = arith.constant 64 : i32
      %lt3A_272 = arith.cmpi slt, %add3A_270, %lt3A_271 : i32
      %convert_element_type3A_273 = arith.extui %lt3A_272 : i1 to i32
      %cond3A_274 = arith.constant 0 : i32
      %cond3A_275 = arith.cmpi ne, %convert_element_type3A_273, %cond3A_274 : i32
      scf.if %cond3A_275 {
        %sub3A_361 = arith.constant 8 : i32
        %sub3A_362 = arith.subi %add3A_270, %sub3A_361 : i32
        %ge3A = arith.constant 0 : i32
        %ge3A_363 = arith.cmpi sge, %sub3A_362, %ge3A : i32
        %convert_element_type3A_364 = arith.extui %ge3A_363 : i1 to i32
        %cond3A_365 = arith.constant 0 : i32
        %cond3A_366 = arith.cmpi ne, %convert_element_type3A_364, %cond3A_365 : i32
        scf.if %cond3A_366 {
          %sub3A_387 = arith.constant 8 : i32
          %sub3A_388 = arith.subi %add3A_270, %sub3A_387 : i32
          %mul3A_389 = arith.constant 16 : i32
          %mul3A_390 = arith.muli %sub3A_388, %mul3A_389 : i32
          %add3A_391 = arith.addi %mul3A_2, %mul3A_390 : i32
          %dma_wait3A_392 = arith.constant 0 : i32
          %dma_wait3A_393 = tpu.memref_slice %arg4[%add3A_391, %dma_wait3A_392] : memref<32768x768xf32, #tpu.memory_space<hbm>> -> memref<16x768xf32, #tpu.memory_space<hbm>>
          %dma_wait3A_394 = arith.constant 0 : i32
          %dma_wait3A_395 = tpu.memref_slice %arg4[%add3A_391, %dma_wait3A_394] : memref<32768x768xf32, #tpu.memory_space<hbm>> -> memref<16x768xf32, #tpu.memory_space<hbm>>
          tpu.wait_dma2 semaphore(%arg24 : memref<!tpu.dma_semaphore, #tpu.memory_space<semaphore_mem>>) src(%arg8 : memref<16x768xf32, #tpu.memory_space<vmem>>) dst(%dma_wait3A_395 : memref<16x768xf32, #tpu.memory_space<hbm>>)
        } else {
        }
        %mul3A_367 = arith.constant 16 : i32
        %mul3A_368 = arith.muli %add3A_270, %mul3A_367 : i32
        %get3A_369 = arith.index_cast %mul3A_368 : i32 to index
        %get3A_370 = tpu.vector_load %arg5[%get3A_369] {strides = array<i32>} : memref<1024xi32, #tpu.memory_space<vmem>>, vector<16xi32>,
        %get3A_371 = vector.shape_cast %get3A_370 : vector<16xi32> to vector<16xi32>
        %max3A_372 = arith.constant 0 : i32
        %max3A_373 = vector.broadcast %max3A_372 : i32 to vector<16xi32>
        %max3A_374 = arith.maxsi %get3A_371, %max3A_373 : vector<16xi32>
        %add3A_375 = vector.broadcast %mul3A_20 : i32 to vector<16xi32>
        %add3A_376 = arith.addi %max3A_374, %add3A_375 : vector<16xi32>
        %swap3A_377 = arith.index_cast %mul3A_368 : i32 to index
        %swap3A_378 = tpu.vector_load %arg5[%swap3A_377] {strides = array<i32>} : memref<1024xi32, #tpu.memory_space<vmem>>, vector<16xi32>,
        %swap3A_379 = vector.shape_cast %swap3A_378 : vector<16xi32> to vector<16xi32>
        %swap3A_380 = vector.shape_cast %add3A_376 : vector<16xi32> to vector<16xi32>
        tpu.vector_store %arg5[%swap3A_377], %swap3A_380 {strides = array<i32>} : memref<1024xi32, #tpu.memory_space<vmem>>, vector<16xi32>,
        %mul3A_381 = arith.constant 16 : i32
        %mul3A_382 = arith.muli %add3A_270, %mul3A_381 : i32
        %dma_start3A_383 = tpu.memref_slice %arg5[%mul3A_382] : memref<1024xi32, #tpu.memory_space<vmem>> -> memref<16xi32, #tpu.memory_space<vmem>>
        %dma_start3A_384 = arith.constant 0 : i32
        %dma_start3A_385 = arith.constant 0 : i32
        %dma_start3A_386 = tpu.memref_slice %arg2[%dma_start3A_384, %dma_start3A_385] : memref<32768x768xf32, #tpu.memory_space<hbm>> -> memref<32768x768xf32, #tpu.memory_space<hbm>>
        tpu.enqueue_indirect_dma source(%dma_start3A_386 : memref<32768x768xf32, #tpu.memory_space<hbm>>) target(%arg8 : memref<16x768xf32, #tpu.memory_space<vmem>>) offsets(%dma_start3A_383 : memref<16xi32, #tpu.memory_space<vmem>>) semaphore(%arg16 : memref<!tpu.dma_semaphore, #tpu.memory_space<semaphore_mem>>)
      } else {
      }
      %mul3A_276 = arith.constant 16 : i32
      %mul3A_277 = arith.muli %add3A_268, %mul3A_276 : i32
      %dma_wait3A_278 = tpu.memref_slice %arg5[%mul3A_277] : memref<1024xi32, #tpu.memory_space<vmem>> -> memref<16xi32, #tpu.memory_space<vmem>>
      %dma_wait3A_279 = arith.constant 0 : i32
      %dma_wait3A_280 = arith.constant 0 : i32
      %dma_wait3A_281 = tpu.memref_slice %arg2[%dma_wait3A_279, %dma_wait3A_280] : memref<32768x768xf32, #tpu.memory_space<hbm>> -> memref<32768x768xf32, #tpu.memory_space<hbm>>
      tpu.wait_indirect_dma semaphore(%arg18 : memref<!tpu.dma_semaphore, #tpu.memory_space<semaphore_mem>>) src(%dma_wait3A_281 : memref<32768x768xf32, #tpu.memory_space<hbm>>) dst(%arg10 : memref<16x768xf32, #tpu.memory_space<vmem>>)
      %mul3A_282 = arith.constant 16 : i32
      %mul3A_283 = arith.muli %add3A_268, %mul3A_282 : i32
      %add3A_284 = arith.addi %mul3A_2, %mul3A_283 : i32
      %dma_start3A_285 = arith.constant 0 : i32
      %dma_start3A_286 = tpu.memref_slice %arg4[%add3A_284, %dma_start3A_285] : memref<32768x768xf32, #tpu.memory_space<hbm>> -> memref<16x768xf32, #tpu.memory_space<hbm>>
      %dma_start3A_287 = arith.constant 0 : i32
      %dma_start3A_288 = tpu.memref_slice %arg4[%add3A_284, %dma_start3A_287] : memref<32768x768xf32, #tpu.memory_space<hbm>> -> memref<16x768xf32, #tpu.memory_space<hbm>>
      tpu.enqueue_dma source(%arg10 : memref<16x768xf32, #tpu.memory_space<vmem>>) target(%dma_start3A_288 : memref<16x768xf32, #tpu.memory_space<hbm>>) target_semaphore(%arg26 : memref<!tpu.dma_semaphore, #tpu.memory_space<semaphore_mem>>)
      %mul3A_289 = arith.constant 8 : i32
      %mul3A_290 = arith.muli %scan3A_171, %mul3A_289 : i32
      %add3A_291 = arith.constant 5 : i32
      %add3A_292 = arith.addi %mul3A_290, %add3A_291 : i32
      %add3A_293 = arith.constant 6 : i32
      %add3A_294 = arith.addi %add3A_292, %add3A_293 : i32
      %lt3A_295 = arith.constant 64 : i32
      %lt3A_296 = arith.cmpi slt, %add3A_294, %lt3A_295 : i32
      %convert_element_type3A_297 = arith.extui %lt3A_296 : i1 to i32
      %cond3A_298 = arith.constant 0 : i32
      %cond3A_299 = arith.cmpi ne, %convert_element_type3A_297, %cond3A_298 : i32
      scf.if %cond3A_299 {
        %sub3A_361 = arith.constant 8 : i32
        %sub3A_362 = arith.subi %add3A_294, %sub3A_361 : i32
        %ge3A = arith.constant 0 : i32
        %ge3A_363 = arith.cmpi sge, %sub3A_362, %ge3A : i32
        %convert_element_type3A_364 = arith.extui %ge3A_363 : i1 to i32
        %cond3A_365 = arith.constant 0 : i32
        %cond3A_366 = arith.cmpi ne, %convert_element_type3A_364, %cond3A_365 : i32
        scf.if %cond3A_366 {
          %sub3A_387 = arith.constant 8 : i32
          %sub3A_388 = arith.subi %add3A_294, %sub3A_387 : i32
          %mul3A_389 = arith.constant 16 : i32
          %mul3A_390 = arith.muli %sub3A_388, %mul3A_389 : i32
          %add3A_391 = arith.addi %mul3A_2, %mul3A_390 : i32
          %dma_wait3A_392 = arith.constant 0 : i32
          %dma_wait3A_393 = tpu.memref_slice %arg4[%add3A_391, %dma_wait3A_392] : memref<32768x768xf32, #tpu.memory_space<hbm>> -> memref<16x768xf32, #tpu.memory_space<hbm>>
          %dma_wait3A_394 = arith.constant 0 : i32
          %dma_wait3A_395 = tpu.memref_slice %arg4[%add3A_391, %dma_wait3A_394] : memref<32768x768xf32, #tpu.memory_space<hbm>> -> memref<16x768xf32, #tpu.memory_space<hbm>>
          tpu.wait_dma2 semaphore(%arg25 : memref<!tpu.dma_semaphore, #tpu.memory_space<semaphore_mem>>) src(%arg9 : memref<16x768xf32, #tpu.memory_space<vmem>>) dst(%dma_wait3A_395 : memref<16x768xf32, #tpu.memory_space<hbm>>)
        } else {
        }
        %mul3A_367 = arith.constant 16 : i32
        %mul3A_368 = arith.muli %add3A_294, %mul3A_367 : i32
        %get3A_369 = arith.index_cast %mul3A_368 : i32 to index
        %get3A_370 = tpu.vector_load %arg5[%get3A_369] {strides = array<i32>} : memref<1024xi32, #tpu.memory_space<vmem>>, vector<16xi32>,
        %get3A_371 = vector.shape_cast %get3A_370 : vector<16xi32> to vector<16xi32>
        %max3A_372 = arith.constant 0 : i32
        %max3A_373 = vector.broadcast %max3A_372 : i32 to vector<16xi32>
        %max3A_374 = arith.maxsi %get3A_371, %max3A_373 : vector<16xi32>
        %add3A_375 = vector.broadcast %mul3A_20 : i32 to vector<16xi32>
        %add3A_376 = arith.addi %max3A_374, %add3A_375 : vector<16xi32>
        %swap3A_377 = arith.index_cast %mul3A_368 : i32 to index
        %swap3A_378 = tpu.vector_load %arg5[%swap3A_377] {strides = array<i32>} : memref<1024xi32, #tpu.memory_space<vmem>>, vector<16xi32>,
        %swap3A_379 = vector.shape_cast %swap3A_378 : vector<16xi32> to vector<16xi32>
        %swap3A_380 = vector.shape_cast %add3A_376 : vector<16xi32> to vector<16xi32>
        tpu.vector_store %arg5[%swap3A_377], %swap3A_380 {strides = array<i32>} : memref<1024xi32, #tpu.memory_space<vmem>>, vector<16xi32>,
        %mul3A_381 = arith.constant 16 : i32
        %mul3A_382 = arith.muli %add3A_294, %mul3A_381 : i32
        %dma_start3A_383 = tpu.memref_slice %arg5[%mul3A_382] : memref<1024xi32, #tpu.memory_space<vmem>> -> memref<16xi32, #tpu.memory_space<vmem>>
        %dma_start3A_384 = arith.constant 0 : i32
        %dma_start3A_385 = arith.constant 0 : i32
        %dma_start3A_386 = tpu.memref_slice %arg2[%dma_start3A_384, %dma_start3A_385] : memref<32768x768xf32, #tpu.memory_space<hbm>> -> memref<32768x768xf32, #tpu.memory_space<hbm>>
        tpu.enqueue_indirect_dma source(%dma_start3A_386 : memref<32768x768xf32, #tpu.memory_space<hbm>>) target(%arg9 : memref<16x768xf32, #tpu.memory_space<vmem>>) offsets(%dma_start3A_383 : memref<16xi32, #tpu.memory_space<vmem>>) semaphore(%arg17 : memref<!tpu.dma_semaphore, #tpu.memory_space<semaphore_mem>>)
      } else {
      }
      %mul3A_300 = arith.constant 16 : i32
      %mul3A_301 = arith.muli %add3A_292, %mul3A_300 : i32
      %dma_wait3A_302 = tpu.memref_slice %arg5[%mul3A_301] : memref<1024xi32, #tpu.memory_space<vmem>> -> memref<16xi32, #tpu.memory_space<vmem>>
      %dma_wait3A_303 = arith.constant 0 : i32
      %dma_wait3A_304 = arith.constant 0 : i32
      %dma_wait3A_305 = tpu.memref_slice %arg2[%dma_wait3A_303, %dma_wait3A_304] : memref<32768x768xf32, #tpu.memory_space<hbm>> -> memref<32768x768xf32, #tpu.memory_space<hbm>>
      tpu.wait_indirect_dma semaphore(%arg19 : memref<!tpu.dma_semaphore, #tpu.memory_space<semaphore_mem>>) src(%dma_wait3A_305 : memref<32768x768xf32, #tpu.memory_space<hbm>>) dst(%arg11 : memref<16x768xf32, #tpu.memory_space<vmem>>)
      %mul3A_306 = arith.constant 16 : i32
      %mul3A_307 = arith.muli %add3A_292, %mul3A_306 : i32
      %add3A_308 = arith.addi %mul3A_2, %mul3A_307 : i32
      %dma_start3A_309 = arith.constant 0 : i32
      %dma_start3A_310 = tpu.memref_slice %arg4[%add3A_308, %dma_start3A_309] : memref<32768x768xf32, #tpu.memory_space<hbm>> -> memref<16x768xf32, #tpu.memory_space<hbm>>
      %dma_start3A_311 = arith.constant 0 : i32
      %dma_start3A_312 = tpu.memref_slice %arg4[%add3A_308, %dma_start3A_311] : memref<32768x768xf32, #tpu.memory_space<hbm>> -> memref<16x768xf32, #tpu.memory_space<hbm>>
      tpu.enqueue_dma source(%arg11 : memref<16x768xf32, #tpu.memory_space<vmem>>) target(%dma_start3A_312 : memref<16x768xf32, #tpu.memory_space<hbm>>) target_semaphore(%arg27 : memref<!tpu.dma_semaphore, #tpu.memory_space<semaphore_mem>>)
      %mul3A_313 = arith.constant 8 : i32
      %mul3A_314 = arith.muli %scan3A_171, %mul3A_313 : i32
      %add3A_315 = arith.constant 6 : i32
      %add3A_316 = arith.addi %mul3A_314, %add3A_315 : i32
      %add3A_317 = arith.constant 6 : i32
      %add3A_318 = arith.addi %add3A_316, %add3A_317 : i32
      %lt3A_319 = arith.constant 64 : i32
      %lt3A_320 = arith.cmpi slt, %add3A_318, %lt3A_319 : i32
      %convert_element_type3A_321 = arith.extui %lt3A_320 : i1 to i32
      %cond3A_322 = arith.constant 0 : i32
      %cond3A_323 = arith.cmpi ne, %convert_element_type3A_321, %cond3A_322 : i32
      scf.if %cond3A_323 {
        %sub3A_361 = arith.constant 8 : i32
        %sub3A_362 = arith.subi %add3A_318, %sub3A_361 : i32
        %ge3A = arith.constant 0 : i32
        %ge3A_363 = arith.cmpi sge, %sub3A_362, %ge3A : i32
        %convert_element_type3A_364 = arith.extui %ge3A_363 : i1 to i32
        %cond3A_365 = arith.constant 0 : i32
        %cond3A_366 = arith.cmpi ne, %convert_element_type3A_364, %cond3A_365 : i32
        scf.if %cond3A_366 {
          %sub3A_387 = arith.constant 8 : i32
          %sub3A_388 = arith.subi %add3A_318, %sub3A_387 : i32
          %mul3A_389 = arith.constant 16 : i32
          %mul3A_390 = arith.muli %sub3A_388, %mul3A_389 : i32
          %add3A_391 = arith.addi %mul3A_2, %mul3A_390 : i32
          %dma_wait3A_392 = arith.constant 0 : i32
          %dma_wait3A_393 = tpu.memref_slice %arg4[%add3A_391, %dma_wait3A_392] : memref<32768x768xf32, #tpu.memory_space<hbm>> -> memref<16x768xf32, #tpu.memory_space<hbm>>
          %dma_wait3A_394 = arith.constant 0 : i32
          %dma_wait3A_395 = tpu.memref_slice %arg4[%add3A_391, %dma_wait3A_394] : memref<32768x768xf32, #tpu.memory_space<hbm>> -> memref<16x768xf32, #tpu.memory_space<hbm>>
          tpu.wait_dma2 semaphore(%arg26 : memref<!tpu.dma_semaphore, #tpu.memory_space<semaphore_mem>>) src(%arg10 : memref<16x768xf32, #tpu.memory_space<vmem>>) dst(%dma_wait3A_395 : memref<16x768xf32, #tpu.memory_space<hbm>>)
        } else {
        }
        %mul3A_367 = arith.constant 16 : i32
        %mul3A_368 = arith.muli %add3A_318, %mul3A_367 : i32
        %get3A_369 = arith.index_cast %mul3A_368 : i32 to index
        %get3A_370 = tpu.vector_load %arg5[%get3A_369] {strides = array<i32>} : memref<1024xi32, #tpu.memory_space<vmem>>, vector<16xi32>,
        %get3A_371 = vector.shape_cast %get3A_370 : vector<16xi32> to vector<16xi32>
        %max3A_372 = arith.constant 0 : i32
        %max3A_373 = vector.broadcast %max3A_372 : i32 to vector<16xi32>
        %max3A_374 = arith.maxsi %get3A_371, %max3A_373 : vector<16xi32>
        %add3A_375 = vector.broadcast %mul3A_20 : i32 to vector<16xi32>
        %add3A_376 = arith.addi %max3A_374, %add3A_375 : vector<16xi32>
        %swap3A_377 = arith.index_cast %mul3A_368 : i32 to index
        %swap3A_378 = tpu.vector_load %arg5[%swap3A_377] {strides = array<i32>} : memref<1024xi32, #tpu.memory_space<vmem>>, vector<16xi32>,
        %swap3A_379 = vector.shape_cast %swap3A_378 : vector<16xi32> to vector<16xi32>
        %swap3A_380 = vector.shape_cast %add3A_376 : vector<16xi32> to vector<16xi32>
        tpu.vector_store %arg5[%swap3A_377], %swap3A_380 {strides = array<i32>} : memref<1024xi32, #tpu.memory_space<vmem>>, vector<16xi32>,
        %mul3A_381 = arith.constant 16 : i32
        %mul3A_382 = arith.muli %add3A_318, %mul3A_381 : i32
        %dma_start3A_383 = tpu.memref_slice %arg5[%mul3A_382] : memref<1024xi32, #tpu.memory_space<vmem>> -> memref<16xi32, #tpu.memory_space<vmem>>
        %dma_start3A_384 = arith.constant 0 : i32
        %dma_start3A_385 = arith.constant 0 : i32
        %dma_start3A_386 = tpu.memref_slice %arg2[%dma_start3A_384, %dma_start3A_385] : memref<32768x768xf32, #tpu.memory_space<hbm>> -> memref<32768x768xf32, #tpu.memory_space<hbm>>
        tpu.enqueue_indirect_dma source(%dma_start3A_386 : memref<32768x768xf32, #tpu.memory_space<hbm>>) target(%arg10 : memref<16x768xf32, #tpu.memory_space<vmem>>) offsets(%dma_start3A_383 : memref<16xi32, #tpu.memory_space<vmem>>) semaphore(%arg18 : memref<!tpu.dma_semaphore, #tpu.memory_space<semaphore_mem>>)
      } else {
      }
      %mul3A_324 = arith.constant 16 : i32
      %mul3A_325 = arith.muli %add3A_316, %mul3A_324 : i32
      %dma_wait3A_326 = tpu.memref_slice %arg5[%mul3A_325] : memref<1024xi32, #tpu.memory_space<vmem>> -> memref<16xi32, #tpu.memory_space<vmem>>
      %dma_wait3A_327 = arith.constant 0 : i32
      %dma_wait3A_328 = arith.constant 0 : i32
      %dma_wait3A_329 = tpu.memref_slice %arg2[%dma_wait3A_327, %dma_wait3A_328] : memref<32768x768xf32, #tpu.memory_space<hbm>> -> memref<32768x768xf32, #tpu.memory_space<hbm>>
      tpu.wait_indirect_dma semaphore(%arg20 : memref<!tpu.dma_semaphore, #tpu.memory_space<semaphore_mem>>) src(%dma_wait3A_329 : memref<32768x768xf32, #tpu.memory_space<hbm>>) dst(%arg12 : memref<16x768xf32, #tpu.memory_space<vmem>>)
      %mul3A_330 = arith.constant 16 : i32
      %mul3A_331 = arith.muli %add3A_316, %mul3A_330 : i32
      %add3A_332 = arith.addi %mul3A_2, %mul3A_331 : i32
      %dma_start3A_333 = arith.constant 0 : i32
      %dma_start3A_334 = tpu.memref_slice %arg4[%add3A_332, %dma_start3A_333] : memref<32768x768xf32, #tpu.memory_space<hbm>> -> memref<16x768xf32, #tpu.memory_space<hbm>>
      %dma_start3A_335 = arith.constant 0 : i32
      %dma_start3A_336 = tpu.memref_slice %arg4[%add3A_332, %dma_start3A_335] : memref<32768x768xf32, #tpu.memory_space<hbm>> -> memref<16x768xf32, #tpu.memory_space<hbm>>
      tpu.enqueue_dma source(%arg12 : memref<16x768xf32, #tpu.memory_space<vmem>>) target(%dma_start3A_336 : memref<16x768xf32, #tpu.memory_space<hbm>>) target_semaphore(%arg28 : memref<!tpu.dma_semaphore, #tpu.memory_space<semaphore_mem>>)
      %mul3A_337 = arith.constant 8 : i32
      %mul3A_338 = arith.muli %scan3A_171, %mul3A_337 : i32
      %add3A_339 = arith.constant 7 : i32
      %add3A_340 = arith.addi %mul3A_338, %add3A_339 : i32
      %add3A_341 = arith.constant 6 : i32
      %add3A_342 = arith.addi %add3A_340, %add3A_341 : i32
      %lt3A_343 = arith.constant 64 : i32
      %lt3A_344 = arith.cmpi slt, %add3A_342, %lt3A_343 : i32
      %convert_element_type3A_345 = arith.extui %lt3A_344 : i1 to i32
      %cond3A_346 = arith.constant 0 : i32
      %cond3A_347 = arith.cmpi ne, %convert_element_type3A_345, %cond3A_346 : i32
      scf.if %cond3A_347 {
        %sub3A_361 = arith.constant 8 : i32
        %sub3A_362 = arith.subi %add3A_342, %sub3A_361 : i32
        %ge3A = arith.constant 0 : i32
        %ge3A_363 = arith.cmpi sge, %sub3A_362, %ge3A : i32
        %convert_element_type3A_364 = arith.extui %ge3A_363 : i1 to i32
        %cond3A_365 = arith.constant 0 : i32
        %cond3A_366 = arith.cmpi ne, %convert_element_type3A_364, %cond3A_365 : i32
        scf.if %cond3A_366 {
          %sub3A_387 = arith.constant 8 : i32
          %sub3A_388 = arith.subi %add3A_342, %sub3A_387 : i32
          %mul3A_389 = arith.constant 16 : i32
          %mul3A_390 = arith.muli %sub3A_388, %mul3A_389 : i32
          %add3A_391 = arith.addi %mul3A_2, %mul3A_390 : i32
          %dma_wait3A_392 = arith.constant 0 : i32
          %dma_wait3A_393 = tpu.memref_slice %arg4[%add3A_391, %dma_wait3A_392] : memref<32768x768xf32, #tpu.memory_space<hbm>> -> memref<16x768xf32, #tpu.memory_space<hbm>>
          %dma_wait3A_394 = arith.constant 0 : i32
          %dma_wait3A_395 = tpu.memref_slice %arg4[%add3A_391, %dma_wait3A_394] : memref<32768x768xf32, #tpu.memory_space<hbm>> -> memref<16x768xf32, #tpu.memory_space<hbm>>
          tpu.wait_dma2 semaphore(%arg27 : memref<!tpu.dma_semaphore, #tpu.memory_space<semaphore_mem>>) src(%arg11 : memref<16x768xf32, #tpu.memory_space<vmem>>) dst(%dma_wait3A_395 : memref<16x768xf32, #tpu.memory_space<hbm>>)
        } else {
        }
        %mul3A_367 = arith.constant 16 : i32
        %mul3A_368 = arith.muli %add3A_342, %mul3A_367 : i32
        %get3A_369 = arith.index_cast %mul3A_368 : i32 to index
        %get3A_370 = tpu.vector_load %arg5[%get3A_369] {strides = array<i32>} : memref<1024xi32, #tpu.memory_space<vmem>>, vector<16xi32>,
        %get3A_371 = vector.shape_cast %get3A_370 : vector<16xi32> to vector<16xi32>
        %max3A_372 = arith.constant 0 : i32
        %max3A_373 = vector.broadcast %max3A_372 : i32 to vector<16xi32>
        %max3A_374 = arith.maxsi %get3A_371, %max3A_373 : vector<16xi32>
        %add3A_375 = vector.broadcast %mul3A_20 : i32 to vector<16xi32>
        %add3A_376 = arith.addi %max3A_374, %add3A_375 : vector<16xi32>
        %swap3A_377 = arith.index_cast %mul3A_368 : i32 to index
        %swap3A_378 = tpu.vector_load %arg5[%swap3A_377] {strides = array<i32>} : memref<1024xi32, #tpu.memory_space<vmem>>, vector<16xi32>,
        %swap3A_379 = vector.shape_cast %swap3A_378 : vector<16xi32> to vector<16xi32>
        %swap3A_380 = vector.shape_cast %add3A_376 : vector<16xi32> to vector<16xi32>
        tpu.vector_store %arg5[%swap3A_377], %swap3A_380 {strides = array<i32>} : memref<1024xi32, #tpu.memory_space<vmem>>, vector<16xi32>,
        %mul3A_381 = arith.constant 16 : i32
        %mul3A_382 = arith.muli %add3A_342, %mul3A_381 : i32
        %dma_start3A_383 = tpu.memref_slice %arg5[%mul3A_382] : memref<1024xi32, #tpu.memory_space<vmem>> -> memref<16xi32, #tpu.memory_space<vmem>>
        %dma_start3A_384 = arith.constant 0 : i32
        %dma_start3A_385 = arith.constant 0 : i32
        %dma_start3A_386 = tpu.memref_slice %arg2[%dma_start3A_384, %dma_start3A_385] : memref<32768x768xf32, #tpu.memory_space<hbm>> -> memref<32768x768xf32, #tpu.memory_space<hbm>>
        tpu.enqueue_indirect_dma source(%dma_start3A_386 : memref<32768x768xf32, #tpu.memory_space<hbm>>) target(%arg11 : memref<16x768xf32, #tpu.memory_space<vmem>>) offsets(%dma_start3A_383 : memref<16xi32, #tpu.memory_space<vmem>>) semaphore(%arg19 : memref<!tpu.dma_semaphore, #tpu.memory_space<semaphore_mem>>)
      } else {
      }
      %mul3A_348 = arith.constant 16 : i32
      %mul3A_349 = arith.muli %add3A_340, %mul3A_348 : i32
      %dma_wait3A_350 = tpu.memref_slice %arg5[%mul3A_349] : memref<1024xi32, #tpu.memory_space<vmem>> -> memref<16xi32, #tpu.memory_space<vmem>>
      %dma_wait3A_351 = arith.constant 0 : i32
      %dma_wait3A_352 = arith.constant 0 : i32
      %dma_wait3A_353 = tpu.memref_slice %arg2[%dma_wait3A_351, %dma_wait3A_352] : memref<32768x768xf32, #tpu.memory_space<hbm>> -> memref<32768x768xf32, #tpu.memory_space<hbm>>
      tpu.wait_indirect_dma semaphore(%arg21 : memref<!tpu.dma_semaphore, #tpu.memory_space<semaphore_mem>>) src(%dma_wait3A_353 : memref<32768x768xf32, #tpu.memory_space<hbm>>) dst(%arg13 : memref<16x768xf32, #tpu.memory_space<vmem>>)
      %mul3A_354 = arith.constant 16 : i32
      %mul3A_355 = arith.muli %add3A_340, %mul3A_354 : i32
      %add3A_356 = arith.addi %mul3A_2, %mul3A_355 : i32
      %dma_start3A_357 = arith.constant 0 : i32
      %dma_start3A_358 = tpu.memref_slice %arg4[%add3A_356, %dma_start3A_357] : memref<32768x768xf32, #tpu.memory_space<hbm>> -> memref<16x768xf32, #tpu.memory_space<hbm>>
      %dma_start3A_359 = arith.constant 0 : i32
      %dma_start3A_360 = tpu.memref_slice %arg4[%add3A_356, %dma_start3A_359] : memref<32768x768xf32, #tpu.memory_space<hbm>> -> memref<16x768xf32, #tpu.memory_space<hbm>>
      tpu.enqueue_dma source(%arg13 : memref<16x768xf32, #tpu.memory_space<vmem>>) target(%dma_start3A_360 : memref<16x768xf32, #tpu.memory_space<hbm>>) target_semaphore(%arg29 : memref<!tpu.dma_semaphore, #tpu.memory_space<semaphore_mem>>)
    }
    %scan3A_123 = arith.constant 8 : i32
    %add3A_124 = arith.constant 896 : i32
    %add3A_125 = arith.addi %mul3A_2, %add3A_124 : i32
    %dma_wait3A = arith.constant 0 : i32
    %dma_wait3A_126 = tpu.memref_slice %arg4[%add3A_125, %dma_wait3A] : memref<32768x768xf32, #tpu.memory_space<hbm>> -> memref<16x768xf32, #tpu.memory_space<hbm>>
    %dma_wait3A_127 = arith.constant 0 : i32
    %dma_wait3A_128 = tpu.memref_slice %arg4[%add3A_125, %dma_wait3A_127] : memref<32768x768xf32, #tpu.memory_space<hbm>> -> memref<16x768xf32, #tpu.memory_space<hbm>>
    tpu.wait_dma2 semaphore(%arg22 : memref<!tpu.dma_semaphore, #tpu.memory_space<semaphore_mem>>) src(%arg6 : memref<16x768xf32, #tpu.memory_space<vmem>>) dst(%dma_wait3A_128 : memref<16x768xf32, #tpu.memory_space<hbm>>)
    %add3A_129 = arith.constant 912 : i32
    %add3A_130 = arith.addi %mul3A_2, %add3A_129 : i32
    %dma_wait3A_131 = arith.constant 0 : i32
    %dma_wait3A_132 = tpu.memref_slice %arg4[%add3A_130, %dma_wait3A_131] : memref<32768x768xf32, #tpu.memory_space<hbm>> -> memref<16x768xf32, #tpu.memory_space<hbm>>
    %dma_wait3A_133 = arith.constant 0 : i32
    %dma_wait3A_134 = tpu.memref_slice %arg4[%add3A_130, %dma_wait3A_133] : memref<32768x768xf32, #tpu.memory_space<hbm>> -> memref<16x768xf32, #tpu.memory_space<hbm>>
    tpu.wait_dma2 semaphore(%arg23 : memref<!tpu.dma_semaphore, #tpu.memory_space<semaphore_mem>>) src(%arg7 : memref<16x768xf32, #tpu.memory_space<vmem>>) dst(%dma_wait3A_134 : memref<16x768xf32, #tpu.memory_space<hbm>>)
    %add3A_135 = arith.constant 928 : i32
    %add3A_136 = arith.addi %mul3A_2, %add3A_135 : i32
    %dma_wait3A_137 = arith.constant 0 : i32
    %dma_wait3A_138 = tpu.memref_slice %arg4[%add3A_136, %dma_wait3A_137] : memref<32768x768xf32, #tpu.memory_space<hbm>> -> memref<16x768xf32, #tpu.memory_space<hbm>>
    %dma_wait3A_139 = arith.constant 0 : i32
    %dma_wait3A_140 = tpu.memref_slice %arg4[%add3A_136, %dma_wait3A_139] : memref<32768x768xf32, #tpu.memory_space<hbm>> -> memref<16x768xf32, #tpu.memory_space<hbm>>
    tpu.wait_dma2 semaphore(%arg24 : memref<!tpu.dma_semaphore, #tpu.memory_space<semaphore_mem>>) src(%arg8 : memref<16x768xf32, #tpu.memory_space<vmem>>) dst(%dma_wait3A_140 : memref<16x768xf32, #tpu.memory_space<hbm>>)
    %add3A_141 = arith.constant 944 : i32
    %add3A_142 = arith.addi %mul3A_2, %add3A_141 : i32
    %dma_wait3A_143 = arith.constant 0 : i32
    %dma_wait3A_144 = tpu.memref_slice %arg4[%add3A_142, %dma_wait3A_143] : memref<32768x768xf32, #tpu.memory_space<hbm>> -> memref<16x768xf32, #tpu.memory_space<hbm>>
    %dma_wait3A_145 = arith.constant 0 : i32
    %dma_wait3A_146 = tpu.memref_slice %arg4[%add3A_142, %dma_wait3A_145] : memref<32768x768xf32, #tpu.memory_space<hbm>> -> memref<16x768xf32, #tpu.memory_space<hbm>>
    tpu.wait_dma2 semaphore(%arg25 : memref<!tpu.dma_semaphore, #tpu.memory_space<semaphore_mem>>) src(%arg9 : memref<16x768xf32, #tpu.memory_space<vmem>>) dst(%dma_wait3A_146 : memref<16x768xf32, #tpu.memory_space<hbm>>)
    %add3A_147 = arith.constant 960 : i32
    %add3A_148 = arith.addi %mul3A_2, %add3A_147 : i32
    %dma_wait3A_149 = arith.constant 0 : i32
    %dma_wait3A_150 = tpu.memref_slice %arg4[%add3A_148, %dma_wait3A_149] : memref<32768x768xf32, #tpu.memory_space<hbm>> -> memref<16x768xf32, #tpu.memory_space<hbm>>
    %dma_wait3A_151 = arith.constant 0 : i32
    %dma_wait3A_152 = tpu.memref_slice %arg4[%add3A_148, %dma_wait3A_151] : memref<32768x768xf32, #tpu.memory_space<hbm>> -> memref<16x768xf32, #tpu.memory_space<hbm>>
    tpu.wait_dma2 semaphore(%arg26 : memref<!tpu.dma_semaphore, #tpu.memory_space<semaphore_mem>>) src(%arg10 : memref<16x768xf32, #tpu.memory_space<vmem>>) dst(%dma_wait3A_152 : memref<16x768xf32, #tpu.memory_space<hbm>>)
    %add3A_153 = arith.constant 976 : i32
    %add3A_154 = arith.addi %mul3A_2, %add3A_153 : i32
    %dma_wait3A_155 = arith.constant 0 : i32
    %dma_wait3A_156 = tpu.memref_slice %arg4[%add3A_154, %dma_wait3A_155] : memref<32768x768xf32, #tpu.memory_space<hbm>> -> memref<16x768xf32, #tpu.memory_space<hbm>>
    %dma_wait3A_157 = arith.constant 0 : i32
    %dma_wait3A_158 = tpu.memref_slice %arg4[%add3A_154, %dma_wait3A_157] : memref<32768x768xf32, #tpu.memory_space<hbm>> -> memref<16x768xf32, #tpu.memory_space<hbm>>
    tpu.wait_dma2 semaphore(%arg27 : memref<!tpu.dma_semaphore, #tpu.memory_space<semaphore_mem>>) src(%arg11 : memref<16x768xf32, #tpu.memory_space<vmem>>) dst(%dma_wait3A_158 : memref<16x768xf32, #tpu.memory_space<hbm>>)
    %add3A_159 = arith.constant 992 : i32
    %add3A_160 = arith.addi %mul3A_2, %add3A_159 : i32
    %dma_wait3A_161 = arith.constant 0 : i32
    %dma_wait3A_162 = tpu.memref_slice %arg4[%add3A_160, %dma_wait3A_161] : memref<32768x768xf32, #tpu.memory_space<hbm>> -> memref<16x768xf32, #tpu.memory_space<hbm>>
    %dma_wait3A_163 = arith.constant 0 : i32
    %dma_wait3A_164 = tpu.memref_slice %arg4[%add3A_160, %dma_wait3A_163] : memref<32768x768xf32, #tpu.memory_space<hbm>> -> memref<16x768xf32, #tpu.memory_space<hbm>>
    tpu.wait_dma2 semaphore(%arg28 : memref<!tpu.dma_semaphore, #tpu.memory_space<semaphore_mem>>) src(%arg12 : memref<16x768xf32, #tpu.memory_space<vmem>>) dst(%dma_wait3A_164 : memref<16x768xf32, #tpu.memory_space<hbm>>)
    %add3A_165 = arith.constant 1008 : i32
    %add3A_166 = arith.addi %mul3A_2, %add3A_165 : i32
    %dma_wait3A_167 = arith.constant 0 : i32
    %dma_wait3A_168 = tpu.memref_slice %arg4[%add3A_166, %dma_wait3A_167] : memref<32768x768xf32, #tpu.memory_space<hbm>> -> memref<16x768xf32, #tpu.memory_space<hbm>>
    %dma_wait3A_169 = arith.constant 0 : i32
    %dma_wait3A_170 = tpu.memref_slice %arg4[%add3A_166, %dma_wait3A_169] : memref<32768x768xf32, #tpu.memory_space<hbm>> -> memref<16x768xf32, #tpu.memory_space<hbm>>
    tpu.wait_dma2 semaphore(%arg29 : memref<!tpu.dma_semaphore, #tpu.memory_space<semaphore_mem>>) src(%arg13 : memref<16x768xf32, #tpu.memory_space<vmem>>) dst(%dma_wait3A_170 : memref<16x768xf32, #tpu.memory_space<hbm>>)
    return
  }
}

</mosaic_0001>

<sc_bundles>
// kernel: _gather.3.cloned.1.call-start
scs
__scs_entry_jumppad:
0x0: {  	(pc) =	sbr.rel $0x88, $3  }
0x1: {  	(tag) =	ssettag $0x0;
	lr =	simm.s32 $0x1  }
0x2: {  	[smem:$0x3F9F] =	sst lr;
	_ =	strace $0xD0000000  }
0x3: {  	_ = 	snop  }
0x4: {  	_ = 	snop  }
0x5: {  	_ = 	snop  }
0x6: {  	_ = 	snop  }
0x7: {  	_ = 	snop  }
__scs_overlays_trampoline_lowered:
0x8: {  	[smem:$0x3FAE] =	sst s0  }
0x9: {  	[smem:$0x3FAF] =	sst s1  }
0xa: {  	[smem:$0x3FB0] =	sst s2  }
0xb: {  	[smem:$0x3FB1] =	sst s3  }
0xc: {  	[smem:$0x3FB2] =	sst s4  }
0xd: {  	[smem:$0x3FB3] =	sst s5  }
0xe: {  	[smem:$0x3FB4] =	sst s6  }
0xf: {  	[smem:$0x3FB5] =	sst s7  }
0x10: {  	[smem:$0x3FB6] =	sst s8  }
0x11: {  	[smem:$0x3FB7] =	sst s9;
	s0 =	simm.s32 @!p0 $0x0  }
0x12: {  	s1 =	sld [smem:$0x3F9D];
	s0 =	simm.s32 @p0 $0x1  }
0x13: {  	[smem:$0x3FB8] =	sst s0;
	s0 =	simm.s32 @!p1 $0x0  }
0x14: {  	s2 =	sld [smem:$0x3F9C];
	s0 =	simm.s32 @p1 $0x1  }
0x15: {  	[smem:$0x3FB9] =	sst s0;
	s0 =	simm.s32 @!p2 $0x0  }
0x16: {  	s3 =	sld [smem:$0x3FDB];
	s0 =	simm.s32 @p2 $0x1  }
0x17: {  	s4 =	simm.s32 $0x1BF5;
	[smem:$0x3FBB] =	sst s0  }
0x18: {  	s0 =	sld [smem:$0x3F9E];
	_ =	swait.ge [sflag:s4], $0x0  }
0x19: {  	s7 =	sld [smem:$0x3F9F]  }
0x1a: {  	s8 =	sadd.s32 $0xFFFFE003, lr  }
0x1b: {  	s9 =	sadd.s32 $0xFFFFFEF7, lr;
	s5 =	simm.s32 $0xFFFFFFFF;
	p2 =	slt.u32 s8, $0xFFFFF086  }
0x1c: {  	p1 =	slt.u32 s9, $0xF7A;
	s5 =	simm.s32 @!p2 $0x0  }
0x1d: {  	s5 =	simm.s32 @p1 $0x1;
	p0 =	seq.s32 s7, s2  }
0x1e: {  	s7 =	smul.u32 @!p0 $0xF7A, s2;
	p2 =	seq.s32 @!p0 s5, $0x0  }
0x1f: {  	s9 =	smul.u32 $0xF7A, s1;
	s8 =	simm.s32 @!p0 $0x1BF5;
	p2 =	por !p2, p0  }
0x20: {  	[sflag:s8] =	ssyncset.s32 @!p0 $0xFFFFF086;
	s6 =	sadd.s32 @!p0 s3, s7;
	s7 =	simm.s32 @!p0 $0x108  }
0x21: {  	s3 =	sadd.s32 s3, s9;
	s6 =	sadd.s32 @!p0 $0x88, s6;
	s7 =	simm.s32 @p2 $0x1082  }
0x22: {  	[simem:s7], [sflag:s8] =	dma.local @!p0 [hbm:s6], $0xF7A  }
0x23: {  	s9 =	sor.u32 $0xD0000000, s2;
	s6 =	simm.s32 $0x108;
	_ =	swait.ge @!p0 [sflag:s8], $0x0  }
0x24: {  	s3 =	sadd.s32 $0x88, s3;
	s6 =	simm.s32 @!p1 $0x1082;
	[sflag:s4] =	ssyncset.s32 $0xFFFFF086  }
0x25: {  	[simem:s6], [sflag:s4] =	dma.local [hbm:s3], $0xF7A  }
0x26: {  	[smem:$0x3F9F] =	sst s1;
	(tag) =	ssettag s2;
	_ =	strace s9  }
0x27: {  	s1 =	sld [smem:$0x3FAF]  }
0x28: {  	s2 =	sld [smem:$0x3FB0]  }
0x29: {  	s4 =	sld [smem:$0x3FB2]  }
0x2a: {  	p0 =	seq.s32 s5, $0x0;
	s5 =	sld [smem:$0x3FB3]  }
0x2b: {  	s6 =	sld [smem:$0x3FB4]  }
0x2c: {  	s7 =	sld [smem:$0x3FB5]  }
0x2d: {  	s3 =	simm.s32 $0x108;
	s8 =	sld [smem:$0x3FB6]  }
0x2e: {  	s3 =	simm.s32 @!p0 $0x1082;
	s9 =	sld [smem:$0x3FB7]  }
0x2f: {  	lr =	sadd.s32 s0, s3;
	s0 =	sld [smem:$0x3FAE]  }
0x30: {  	s3 =	sld [smem:$0x3FB1]  }
0x31: {  	[smem:$0x3FBA] =	sst s10  }
0x32: {  	s10 =	sld [smem:$0x3FB8];
	_ =	sdelay $0x3  }
0x33: {  	p0 =	seq.s32 s10, $0x1;
	s10 =	sld [smem:$0x3FBA];
	_ =	sdelay $0x3  }
0x34: {  	[smem:$0x3FBA] =	sst s10  }
0x35: {  	s10 =	sld [smem:$0x3FB9];
	_ =	sdelay $0x3  }
0x36: {  	p1 =	seq.s32 s10, $0x1;
	s10 =	sld [smem:$0x3FBA];
	_ =	sdelay $0x3  }
0x37: {  	[smem:$0x3FBA] =	sst s10  }
0x38: {  	s10 =	sld [smem:$0x3FBB]  }
0x39: {  	_ = 	snop;
	(pc) =	sbr.ind lr, $3  }
0x3a: {  	_ = 	snop  }
0x3b: {  	_ = 	snop  }
0x3c: {  	p2 =	seq.s32 s10, $0x1;
	s10 =	sld [smem:$0x3FBA]  }
0x3d: {  	_ =	shalt  }
0x3e: {  	_ =	shalt  }
0x3f: {  	_ =	shalt  }
0x40: {  	_ =	shalt  }
0x41: {  	_ =	shalt  }
0x42: {  	_ =	shalt  }
0x43: {  	_ =	shalt  }
0x44: {  	_ =	shalt  }
0x45: {  	_ =	shalt  }
0x46: {  	_ =	shalt  }
0x47: {  	_ =	shalt  }
0x48: {  	_ =	shalt  }
0x49: {  	_ =	shalt  }
0x4a: {  	_ =	shalt  }
0x4b: {  	_ =	shalt  }
0x4c: {  	_ =	shalt  }
0x4d: {  	_ =	shalt  }
0x4e: {  	_ =	shalt  }
0x4f: {  	_ =	shalt  }
0x50: {  	_ =	shalt  }
0x51: {  	_ =	shalt  }
0x52: {  	_ =	shalt  }
0x53: {  	_ =	shalt  }
0x54: {  	_ =	shalt  }
0x55: {  	_ =	shalt  }
0x56: {  	_ =	shalt  }
0x57: {  	_ =	shalt  }
0x58: {  	_ =	shalt  }
0x59: {  	_ =	shalt  }
0x5a: {  	_ =	shalt  }
0x5b: {  	_ =	shalt  }
0x5c: {  	_ =	shalt  }
0x5d: {  	_ =	shalt  }
0x5e: {  	_ =	shalt  }
0x5f: {  	_ =	shalt  }
0x60: {  	_ =	shalt  }
0x61: {  	_ =	shalt  }
0x62: {  	_ =	shalt  }
0x63: {  	_ =	shalt  }
0x64: {  	_ =	shalt  }
0x65: {  	_ =	shalt  }
0x66: {  	_ =	shalt  }
0x67: {  	_ =	shalt  }
0x68: {  	_ =	shalt  }
0x69: {  	_ =	shalt  }
0x6a: {  	_ =	shalt  }
0x6b: {  	_ =	shalt  }
0x6c: {  	_ =	shalt  }
0x6d: {  	_ =	shalt  }
0x6e: {  	_ =	shalt  }
0x6f: {  	_ =	shalt  }
0x70: {  	_ =	shalt  }
0x71: {  	_ =	shalt  }
0x72: {  	_ =	shalt  }
0x73: {  	_ =	shalt  }
0x74: {  	_ =	shalt  }
0x75: {  	_ =	shalt  }
0x76: {  	_ =	shalt  }
0x77: {  	_ =	shalt  }
0x78: {  	_ =	shalt  }
0x79: {  	_ =	shalt  }
0x7a: {  	_ =	shalt  }
0x7b: {  	_ =	shalt  }
0x7c: {  	_ =	shalt  }
0x7d: {  	_ =	shalt  }
0x7e: {  	_ =	shalt  }
0x7f: {  	_ =	shalt  }
0x80: {  	_ =	shalt  }
0x81: {  	_ =	shalt  }
0x82: {  	_ =	shalt  }
0x83: {  	_ =	shalt  }
0x84: {  	_ =	shalt  }
0x85: {  	_ =	shalt  }
0x86: {  	_ =	shalt  }
0x87: {  	_ =	shalt  }
.Lfunc_end0:
.L_simem_size_0:
called_computation_lowered:
.L_overlay_start_0:
0x88: {  	s2 =	sld [smem:$0x3FD9]  }
0x89: {  	s3 =	sld [smem:$0x3FFE];
	_ =	sdelay $0x1  }
0x8a: {  	s1 =	srdreg.scid  }
0x8b: {  	s0 =	sand.u32 $0x1, s1  }
0x8c: {  	s18 =	sshll.u32 s0, $0xA;
	s2 =	sadd.s32 s3, s2  }
0x8d: {  	s2 =	sadd.s32 s2, s18  }
0x8e: {  	[smem:$0x3FC6] =	sst s2  }
0x8f: {  	_ = 	snop  }
0x90: {  	s2 =	sld [smem:$0x3FC9]  }
0x91: {  	s19 =	sld [smem:$0x3FC8]  }
0x92: {  	s4 =	sld [smem:$0x3FD0];
	(tm) =	ssettm $0x1  }
0x93: {  	s5 =	sld [smem:$0x3FFB];
	_ =	sdelay $0x3  }
0x94: {  	_ =	strace s5  }
0x95: {  	s5 =	sld [smem:$0x3FFC];
	_ =	sdelay $0x3  }
0x96: {  	_ =	strace s5  }
0x97: {  	s5 =	sld [smem:$0x3FFD];
	_ =	sdelay $0x3  }
0x98: {  	_ =	strace s5  }
0x99: {  	_ =	strace $0x8FFFFFFF  }
0x9a: {  	s20 =	sld [smem:$0x3FDB];
	_ =	sdelay $0x1  }
0x9b: {  	s6 =	simm.s32 $_scs_section_size  }
0x9c: {  	s7 =	simm.s32 $_size__tile_overlayer_lowered;
	s8 =	simm.s32 $_tile_overlayer_lowered  }
0x9d: {  	s23 =	simm.s32 $0x1BFF;
	s22 =	sshll.u32 s8, $0x1;
	s5 =	sadd.s32 s6, s20  }
0x9e: {  	s9 =	simm.s32 $0x0;
	s21 =	sshll.u32 s7, $0x1;
	s7 =	sadd.s32 s22, s5  }
0x9f: {  	[timem:s9], [sflag:s23] =	dma.local [hbm:s7], s21  }
0xa0: {  	_ =	swait.ge [sflag:s23], s21  }
0xa1: {  	s6 =	ssub.s32 $0x0, s21;
	[sflag:s23] =	ssyncset.done $0x0  }
0xa2: {  	[sflag:s23] =	ssyncadd.s32 s6;
	_ =	sdelay $0x1  }
0xa3: {  	s24 =	simm.s32 $0x1B8B  }
0xa4: {  	_ =	swait.ge [sflag:s24], $0x1  }
0xa5: {  	[sflag:s24] =	ssyncset.done $0x0  }
0xa6: {  	s25 =	simm.s32 $0x1B8E;
	[sflag:s24] =	ssyncadd.s32 $0xFFFFFFFF  }
0xa7: {  	s26 =	simm.s32 $execute0_lowered;
	[smem:$0x3FD2] =	sst s25  }
0xa8: {  	s6 =	sshll.u32 s26, $0x1;
	_ =	strace $0x80000046;
	[dreg:$0x1] =	wrdreg $0xFFFFFFFF  }
0xa9: {  	s28 =	simm.s32 $_size_execute0_lowered;
	s5 =	sadd.s32 s5, s6;
	[dreg:$0x0] =	wrdreg $0x0  }
0xaa: {  	s6 =	sshll.u32 s28, $0x1;
	[dreg:$0x2] =	wrdreg s5  }
0xab: {  	[dreg:$0x3] =	wrdreg s6  }
0xac: {  	[dreg:$0x4] =	wrdreg $0xC0  }
0xad: {  	_ =	task [dreg:s9], $0x5FFFF  }
0xae: {  	[dreg:$0x1] =	wrdreg $0xFFFFFFFF  }
0xaf: {  	[dreg:$0x0] =	wrdreg $0x60  }
0xb0: {  	[dreg:$0x2] =	wrdreg s2  }
0xb1: {  	[dreg:$0x3] =	wrdreg s19  }
0xb2: {  	[dreg:$0x4] =	wrdreg s4  }
0xb3: {  	[dreg:$0x5] =	wrdreg $0x9  }
0xb4: {  	_ =	task.clear_ibuf [dreg:s9], $0x6FFFF;
	_ =	strace $0x90000046  }
0xb5: {  	s29 =	simm.s32 $0x9;
	_ =	strace $0x80000048  }
0xb6: {  	_ =	swait.ge [sflag:s29], $0x1  }
0xb7: {  	[sflag:s29] =	ssyncadd.s32 $0xFFFFFFFF  }
0xb8: {  	_ =	strace $0x90000048  }
0xb9: {  	_ =	sfence  }
0xba: {  	s30 =	sld [smem:$0x0];
	_ =	sdelay $0x2  }
0xbb: {  	s31 =	sshll.u32 s1, $0xD;
	s1 =	sshrl.u32 s1, $0x2  }
0xbc: {  	s3 =	sand.u32 $0x4000, s31;
	s1 =	sadd.s32 s1, s30  }
0xbd: {  	s0 =	sor.u32 s3, s0;
	s1 =	sshll.u32 s1, $0x11  }
0xbe: {  	s0 =	sor.u32 s1, s0  }
0xbf: {  	s0 =	sadd.s32 $0x8F2B, s0  }
0xc0: {  	[sflag:s0] =	ssyncadd.remote.s32 $0x1  }
0xc1: {  	_ =	sfence.sel $0xFFFF  }
0xc2: {  	[dreg:$0x0] =	wrdreg $0xFFFFFFFF;
	(pc) =	sbr.abs _section_cstart, $3  }
0xc3: {  	[dreg:$0x1] =	wrdreg $0xFFFFFFFF  }
0xc4: {  	_ =	task.clear_ibuf [dreg:s9], $0x2FFFF;
	_ =	strace $0x9FFFFFFF  }
0xc5: {  	(tm) =	ssettm $0x7FFFFFFF  }
tec
execute0_lowered:
.L_overlay_start_1:
0x0: {  	(tag) =	ssettag $0x1  }
0x1: {  	s1 =	rddreg [dreg:$0x0]  }
0x2: {  	s0 =	rddreg [dreg:$0x1]  }
0x3: {  	s2 =	rddreg [dreg:$0x2]  }
0x4: {  	s4 =	srdreg.scid;
	s3 =	simm.s32 $0x0;
	s9 =	stileid.u32  }
0x5: {  	s12 =	simm.s32 $0x400;
	s18 =	simm.s32 $0x3400;
	s31 =	simm.s32 $0x9400  }
0x6: {  	s15 =	simm.s32 $0x12400;
	s22 =	simm.s32 $0x1;
	s30 =	simm.s32 $0x17C00  }
0x7: {  	s16 =	simm.s32 $0x7;
	s17 =	simm.s32 $0x8;
	s13 =	simm.s32 $0x9  }
0x8: {  	s19 =	simm.s32 $0xA;
	s20 =	simm.s32 $0xB;
	s21 =	simm.s32 $0xC  }
0x9: {  	s4 =	sand.u32 $0x1, s4;
	s6 =	sshll.u32 s9, $0xB;
	[smem:$0x7FF] =	sst s3  }
0xa: {  	s9 =	sshll.u32 s9, $0x8;
	s5 =	ssub.s32 $0x2, s4;
	s7 =	sshll.u32 s4, $0xA  }
0xb: {  	_ =	strace $0x80000047;
	s4 =	sshll.u32 s4, $0x7;
	s14 =	sand.u32 $0x6000, s6  }
0xc: {  	s8 =	sshrl.u32 s5, $0x1;
	s7 =	sor.u32 s7, s6;
	s4 =	sor.u32 s4, s9  }
0xd: {  	s6 =	sadd.s32 $0x200, s1;
	s8 =	ssub.s32 s5, s8;
	s23 =	sor.u32 $0x60, s7  }
0xe: {  	s10 =	sor.u32 $0x70, s7;
	s26 =	sshrl.u32 s7, $0x3;
	s0 =	sadd.s32 s0, s4  }
0xf: {  	s4 =	simm.s32 $0x4;
	s7 =	simm.s32 $0x5;
	s5 =	sshrl.u32 s23, $0x3  }
0x10: {  	s24 =	sshrl.u32 s10, $0x3;
	[dreg:$0x4] =	wrdreg s0;
	s28 =	smul.u32 $0x300, s26  }
.Ltmp0:
0x11: {  	s29 =	smax.u32 s8, $0x1;
	s23 =	simm.s32 $0x15400;
	(pc) =	sbr.rel .LBB2_1-.Ltmp0, $4  }
0x12: {  	s0 =	simm.s32 $0x2;
	s26 =	simm.s32 $0x0;
	s11 =	smul.u32 $0x300, s5  }
0x13: {  	v3 =	vlaneseq.u32;
	s25 =	smul.u32 $0x300, s24;
	s5 =	sadd.s32 $0x100, s1;
	[dreg:$0x5] =	wrdreg s29  }
0x14: {  	vm0 =	vmmov $0xffff;
	v1 =	vand.u32 $0x7, v3;
	v2 =	vshrl.u32 v3, $0x3;
	s24 =	simm.s32 $0x6400;
	s10 =	sadd.s32 s28, s2;
	s8 =	sadd.s32 s11, s2  }
0x15: {  	v3 =	vor.u32 $0x8, v3;
	v2 =	vmul.u32 $0x8, v2;
	v0 =	vmov s14;
	s9 =	sadd.s32 s25, s2;
	s2 =	simm.s32 $0x3;
	s11 =	simm.s32 $0x6  }
.LBB2_9:
0x16: {  	_ =	swait.ge [sflag:s13], $0x3000  }
0x17: {  	[sflag:s13] =	ssyncset.done $0x0  }
0x18: {  	[sflag:s13] =	ssyncadd.s32 $0xFFFFD000  }
0x19: {  	_ =	swait.ge [sflag:s19], $0x3000  }
0x1a: {  	[sflag:s19] =	ssyncset.done $0x0  }
0x1b: {  	[sflag:s19] =	ssyncadd.s32 $0xFFFFD000  }
0x1c: {  	_ =	swait.ge [sflag:s20], $0x3000  }
0x1d: {  	[sflag:s20] =	ssyncset.done $0x0  }
0x1e: {  	[sflag:s20] =	ssyncadd.s32 $0xFFFFD000  }
0x1f: {  	_ =	swait.ge [sflag:s21], $0x3000  }
0x20: {  	[sflag:s21] =	ssyncset.done $0x0  }
0x21: {  	s14 =	simm.s32 $0xD;
	[sflag:s21] =	ssyncadd.s32 $0xFFFFD000  }
0x22: {  	_ =	swait.ge [sflag:s14], $0x3000  }
0x23: {  	[sflag:s14] =	ssyncset.done $0x0  }
0x24: {  	s26 =	simm.s32 $0xE;
	[sflag:s14] =	ssyncadd.s32 $0xFFFFD000  }
0x25: {  	_ =	swait.ge [sflag:s26], $0x3000  }
0x26: {  	[sflag:s26] =	ssyncset.done $0x0  }
0x27: {  	s28 =	simm.s32 $0xF;
	[sflag:s26] =	ssyncadd.s32 $0xFFFFD000  }
0x28: {  	_ =	swait.ge [sflag:s28], $0x3000  }
0x29: {  	[sflag:s28] =	ssyncset.done $0x0  }
0x2a: {  	s25 =	simm.s32 $0x10;
	[sflag:s28] =	ssyncadd.s32 $0xFFFFD000  }
0x2b: {  	_ =	swait.ge [sflag:s25], $0x3000  }
0x2c: {  	s26 =	rddreg [dreg:$0x6]  }
0x2d: {  	s29 =	rddreg [dreg:$0x5];
	s26 =	sadd.s32 $0x1, s26  }
0x2e: {  	p0 =	sne.s32 s26, s29  }
.Ltmp1:
0x2f: {  	_ = 	snop;
	(pc) =	sbr.rel @!p0 .LBB2_10-.Ltmp1, $3  }
0x30: {  	_ =	sdelay $0x1  }
0x31: {  	[sflag:s25] =	ssyncset.done $0x0  }
0x32: {  	[sflag:s25] =	ssyncadd.s32 $0xFFFFD000  }
.LBB2_1:
0x33: {  	[dreg:$0x6] =	wrdreg s26  }
0x34: {  	s14 =	rddreg [dreg:$0x4];
	s29 =	simm.s32 $0x11  }
0x35: {  	[tilespmem:s3], [sflag:$0x11] =	stream.linear.gather [hbm4b:s14+s3], $0x400, $0x38;
	[tilespmem:$0x18400] =	vst v63  }
0x36: {  	_ =	swait.ge [sflag:s29], $0x400  }
0x37: {  	[sflag:s29] =	ssyncset.done $0x0  }
0x38: {  	[sflag:s29] =	ssyncadd.s32 $0xFFFFFC00  }
0x39: {  	v4 =	vld [tilespmem:$0x0];
	_ =	sdelay $0x4  }
0x3a: {  	vm1 =	vgt.s32 v4, $0x0  }
0x3b: {  	v4 =	vnsel vm1, $0x0, v4  }
0x3c: {  	v5 =	vadd.s32 v0, v4  }
0x3d: {  	v6 =	vshrl.u32 v5, $0x3  }
0x3e: {  	v6 =	vmul.u32 $0x30, v6  }
0x3f: {  	v4 =	vand.u32 $0x7, v4  }
0x40: {  	v4 =	vor.u32 v4, v6  }
0x41: {  	v6 =	vperm.xlane v4, v1;
	_ =	sdelay $0x1  }
0x42: {  	v6 =	vadd.s32 v2, v6;
	_ =	sdelay $0x3  }
0x43: {  	[tilespmem:$0x0] =	vst v5;
	v4 =	vperm.xlane v4, v3  }
0x44: {  	[tilespmem:s12], [sflag:$0x1] =	stream.indirect_vreg.gather [hbm4b:s1+s3], $0x80, v6, vm0, $0xb8;
	[tilespmem:$0x18400] =	vst v63  }
0x45: {  	s25 =	simm.s32 $0xC00;
	v4 =	vadd.s32 v2, v4  }
0x46: {  	[tilespmem:s25], [sflag:$0x1] =	stream.indirect_vreg.gather [hbm4b:s5+s3], $0x80, v6, vm0, $0xb8;
	[tilespmem:$0x18400] =	vst v63  }
0x47: {  	s26 =	simm.s32 $0x1400  }
0x48: {  	[tilespmem:s26], [sflag:$0x1] =	stream.indirect_vreg.gather [hbm4b:s6+s3], $0x80, v6, vm0, $0xb8;
	[tilespmem:$0x18400] =	vst v63  }
0x49: {  	s28 =	simm.s32 $0x1C00  }
0x4a: {  	[tilespmem:s28], [sflag:$0x1] =	stream.indirect_vreg.gather [hbm4b:s1+s3], $0x80, v4, vm0, $0xb8;
	[tilespmem:$0x18400] =	vst v63  }
0x4b: {  	s29 =	simm.s32 $0x2400  }
0x4c: {  	[tilespmem:s29], [sflag:$0x1] =	stream.indirect_vreg.gather [hbm4b:s5+s3], $0x80, v4, vm0, $0xb8;
	[tilespmem:$0x18400] =	vst v63  }
0x4d: {  	s25 =	simm.s32 $0x2C00  }
0x4e: {  	[tilespmem:s25], [sflag:$0x1] =	stream.indirect_vreg.gather [hbm4b:s6+s3], $0x80, v4, vm0, $0xb8;
	[tilespmem:$0x18400] =	vst v63  }
0x4f: {  	v4 =	vld [tilespmem:$0x10];
	_ =	sdelay $0x4  }
0x50: {  	vm1 =	vgt.s32 v4, $0x0  }
0x51: {  	v4 =	vnsel vm1, $0x0, v4  }
0x52: {  	v5 =	vadd.s32 v0, v4  }
0x53: {  	v59 =	vshrl.u32 v5, $0x3  }
0x54: {  	v6 =	vmul.u32 $0x30, v59  }
0x55: {  	v4 =	vand.u32 $0x7, v4  }
0x56: {  	v4 =	vor.u32 v4, v6  }
0x57: {  	v6 =	vperm.xlane v4, v1;
	_ =	sdelay $0x1  }
0x58: {  	v6 =	vadd.s32 v2, v6;
	_ =	sdelay $0x3  }
0x59: {  	[tilespmem:$0x10] =	vst v5;
	v4 =	vperm.xlane v4, v3  }
0x5a: {  	[tilespmem:s18], [sflag:$0x2] =	stream.indirect_vreg.gather [hbm4b:s1+s3], $0x80, v6, vm0, $0xb8;
	[tilespmem:$0x18400] =	vst v63  }
0x5b: {  	s26 =	simm.s32 $0x3C00;
	v4 =	vadd.s32 v2, v4  }
0x5c: {  	[tilespmem:s26], [sflag:$0x2] =	stream.indirect_vreg.gather [hbm4b:s5+s3], $0x80, v6, vm0, $0xb8;
	[tilespmem:$0x18400] =	vst v63  }
0x5d: {  	s28 =	simm.s32 $0x4400  }
0x5e: {  	[tilespmem:s28], [sflag:$0x2] =	stream.indirect_vreg.gather [hbm4b:s6+s3], $0x80, v6, vm0, $0xb8;
	[tilespmem:$0x18400] =	vst v63  }
0x5f: {  	s29 =	simm.s32 $0x4C00  }
0x60: {  	[tilespmem:s29], [sflag:$0x2] =	stream.indirect_vreg.gather [hbm4b:s1+s3], $0x80, v4, vm0, $0xb8;
	[tilespmem:$0x18400] =	vst v63  }
0x61: {  	s25 =	simm.s32 $0x5400  }
0x62: {  	[tilespmem:s25], [sflag:$0x2] =	stream.indirect_vreg.gather [hbm4b:s5+s3], $0x80, v4, vm0, $0xb8;
	[tilespmem:$0x18400] =	vst v63  }
0x63: {  	s26 =	simm.s32 $0x5C00  }
0x64: {  	[tilespmem:s26], [sflag:$0x2] =	stream.indirect_vreg.gather [hbm4b:s6+s3], $0x80, v4, vm0, $0xb8;
	[tilespmem:$0x18400] =	vst v63  }
0x65: {  	v4 =	vld [tilespmem:$0x20];
	_ =	sdelay $0x4  }
0x66: {  	vm1 =	vgt.s32 v4, $0x0  }
0x67: {  	v4 =	vnsel vm1, $0x0, v4  }
0x68: {  	v5 =	vadd.s32 v0, v4  }
0x69: {  	v60 =	vshrl.u32 v5, $0x3  }
0x6a: {  	v6 =	vmul.u32 $0x30, v60  }
0x6b: {  	v4 =	vand.u32 $0x7, v4  }
0x6c: {  	v4 =	vor.u32 v4, v6  }
0x6d: {  	v6 =	vperm.xlane v4, v1;
	_ =	sdelay $0x1  }
0x6e: {  	v6 =	vadd.s32 v2, v6;
	_ =	sdelay $0x3  }
0x6f: {  	[tilespmem:$0x20] =	vst v5;
	v4 =	vperm.xlane v4, v3  }
0x70: {  	[tilespmem:s24], [sflag:$0x3] =	stream.indirect_vreg.gather [hbm4b:s1+s3], $0x80, v6, vm0, $0xb8;
	[tilespmem:$0x18400] =	vst v63  }
0x71: {  	s28 =	simm.s32 $0x6C00;
	v4 =	vadd.s32 v2, v4  }
0x72: {  	[tilespmem:s28], [sflag:$0x3] =	stream.indirect_vreg.gather [hbm4b:s5+s3], $0x80, v6, vm0, $0xb8;
	[tilespmem:$0x18400] =	vst v63  }
0x73: {  	s29 =	simm.s32 $0x7400  }
0x74: {  	[tilespmem:s29], [sflag:$0x3] =	stream.indirect_vreg.gather [hbm4b:s6+s3], $0x80, v6, vm0, $0xb8;
	[tilespmem:$0x18400] =	vst v63  }
0x75: {  	s25 =	simm.s32 $0x7C00  }
0x76: {  	[tilespmem:s25], [sflag:$0x3] =	stream.indirect_vreg.gather [hbm4b:s1+s3], $0x80, v4, vm0, $0xb8;
	[tilespmem:$0x18400] =	vst v63  }
0x77: {  	s26 =	simm.s32 $0x8400  }
0x78: {  	[tilespmem:s26], [sflag:$0x3] =	stream.indirect_vreg.gather [hbm4b:s5+s3], $0x80, v4, vm0, $0xb8;
	[tilespmem:$0x18400] =	vst v63  }
0x79: {  	s28 =	simm.s32 $0x8C00  }
0x7a: {  	[tilespmem:s28], [sflag:$0x3] =	stream.indirect_vreg.gather [hbm4b:s6+s3], $0x80, v4, vm0, $0xb8;
	[tilespmem:$0x18400] =	vst v63  }
0x7b: {  	v4 =	vld [tilespmem:$0x30];
	_ =	sdelay $0x4  }
0x7c: {  	vm1 =	vgt.s32 v4, $0x0  }
0x7d: {  	v4 =	vnsel vm1, $0x0, v4  }
0x7e: {  	v5 =	vadd.s32 v0, v4  }
0x7f: {  	v61 =	vshrl.u32 v5, $0x3  }
0x80: {  	v6 =	vmul.u32 $0x30, v61  }
0x81: {  	v4 =	vand.u32 $0x7, v4  }
0x82: {  	v4 =	vor.u32 v4, v6  }
0x83: {  	v6 =	vperm.xlane v4, v1;
	_ =	sdelay $0x1  }
0x84: {  	v6 =	vadd.s32 v2, v6;
	_ =	sdelay $0x3  }
0x85: {  	[tilespmem:$0x30] =	vst v5;
	v4 =	vperm.xlane v4, v3  }
0x86: {  	[tilespmem:s31], [sflag:$0x4] =	stream.indirect_vreg.gather [hbm4b:s1+s3], $0x80, v6, vm0, $0xb8;
	[tilespmem:$0x18400] =	vst v63  }
0x87: {  	s29 =	simm.s32 $0x9C00;
	v4 =	vadd.s32 v2, v4  }
0x88: {  	[tilespmem:s29], [sflag:$0x4] =	stream.indirect_vreg.gather [hbm4b:s5+s3], $0x80, v6, vm0, $0xb8;
	[tilespmem:$0x18400] =	vst v63  }
0x89: {  	s25 =	simm.s32 $0xA400  }
0x8a: {  	[tilespmem:s25], [sflag:$0x4] =	stream.indirect_vreg.gather [hbm4b:s6+s3], $0x80, v6, vm0, $0xb8;
	[tilespmem:$0x18400] =	vst v63  }
0x8b: {  	s26 =	simm.s32 $0xAC00  }
0x8c: {  	[tilespmem:s26], [sflag:$0x4] =	stream.indirect_vreg.gather [hbm4b:s1+s3], $0x80, v4, vm0, $0xb8;
	[tilespmem:$0x18400] =	vst v63  }
0x8d: {  	s28 =	simm.s32 $0xB400  }
0x8e: {  	[tilespmem:s28], [sflag:$0x4] =	stream.indirect_vreg.gather [hbm4b:s5+s3], $0x80, v4, vm0, $0xb8;
	[tilespmem:$0x18400] =	vst v63  }
0x8f: {  	s29 =	simm.s32 $0xBC00  }
0x90: {  	[tilespmem:s29], [sflag:$0x4] =	stream.indirect_vreg.gather [hbm4b:s6+s3], $0x80, v4, vm0, $0xb8;
	[tilespmem:$0x18400] =	vst v63  }
0x91: {  	v4 =	vld [tilespmem:$0x40];
	_ =	sdelay $0x4  }
0x92: {  	vm1 =	vgt.s32 v4, $0x0  }
0x93: {  	v4 =	vnsel vm1, $0x0, v4  }
0x94: {  	v5 =	vadd.s32 v0, v4  }
0x95: {  	v62 =	vshrl.u32 v5, $0x3  }
0x96: {  	v6 =	vmul.u32 $0x30, v62  }
0x97: {  	v4 =	vand.u32 $0x7, v4  }
0x98: {  	v4 =	vor.u32 v4, v6  }
0x99: {  	v6 =	vperm.xlane v4, v1;
	_ =	sdelay $0x1  }
0x9a: {  	v6 =	vadd.s32 v2, v6;
	_ =	sdelay $0x3  }
0x9b: {  	s25 =	simm.s32 $0xC400;
	[tilespmem:$0x40] =	vst v5;
	v4 =	vperm.xlane v4, v3  }
0x9c: {  	[tilespmem:s25], [sflag:$0x5] =	stream.indirect_vreg.gather [hbm4b:s1+s3], $0x80, v6, vm0, $0xb8;
	[tilespmem:$0x18400] =	vst v63  }
0x9d: {  	s26 =	simm.s32 $0xCC00;
	v4 =	vadd.s32 v2, v4  }
0x9e: {  	[tilespmem:s26], [sflag:$0x5] =	stream.indirect_vreg.gather [hbm4b:s5+s3], $0x80, v6, vm0, $0xb8;
	[tilespmem:$0x18400] =	vst v63  }
0x9f: {  	s28 =	simm.s32 $0xD400  }
0xa0: {  	[tilespmem:s28], [sflag:$0x5] =	stream.indirect_vreg.gather [hbm4b:s6+s3], $0x80, v6, vm0, $0xb8;
	[tilespmem:$0x18400] =	vst v63  }
0xa1: {  	s29 =	simm.s32 $0xDC00  }
0xa2: {  	[tilespmem:s29], [sflag:$0x5] =	stream.indirect_vreg.gather [hbm4b:s1+s3], $0x80, v4, vm0, $0xb8;
	[tilespmem:$0x18400] =	vst v63  }
0xa3: {  	s25 =	simm.s32 $0xE400  }
0xa4: {  	[tilespmem:s25], [sflag:$0x5] =	stream.indirect_vreg.gather [hbm4b:s5+s3], $0x80, v4, vm0, $0xb8;
	[tilespmem:$0x18400] =	vst v63  }
0xa5: {  	s26 =	simm.s32 $0xEC00  }
0xa6: {  	[tilespmem:s26], [sflag:$0x5] =	stream.indirect_vreg.gather [hbm4b:s6+s3], $0x80, v4, vm0, $0xb8;
	[tilespmem:$0x18400] =	vst v63  }
0xa7: {  	v4 =	vld [tilespmem:$0x50];
	_ =	sdelay $0x4  }
0xa8: {  	vm1 =	vgt.s32 v4, $0x0  }
0xa9: {  	v4 =	vnsel vm1, $0x0, v4  }
0xaa: {  	v5 =	vadd.s32 v0, v4  }
0xab: {  	v63 =	vshrl.u32 v5, $0x3  }
0xac: {  	v6 =	vmul.u32 $0x30, v63  }
0xad: {  	v4 =	vand.u32 $0x7, v4  }
0xae: {  	v4 =	vor.u32 v4, v6  }
0xaf: {  	v6 =	vperm.xlane v4, v1;
	_ =	sdelay $0x1  }
0xb0: {  	v6 =	vadd.s32 v2, v6;
	_ =	sdelay $0x3  }
0xb1: {  	s28 =	simm.s32 $0xF400;
	[tilespmem:$0x50] =	vst v5;
	v4 =	vperm.xlane v4, v3  }
0xb2: {  	[tilespmem:s28], [sflag:$0x6] =	stream.indirect_vreg.gather [hbm4b:s1+s3], $0x80, v6, vm0, $0xb8;
	[tilespmem:$0x18400] =	vst v63  }
0xb3: {  	s29 =	simm.s32 $0xFC00;
	v4 =	vadd.s32 v2, v4  }
0xb4: {  	[tilespmem:s29], [sflag:$0x6] =	stream.indirect_vreg.gather [hbm4b:s5+s3], $0x80, v6, vm0, $0xb8;
	[tilespmem:$0x18400] =	vst v63  }
0xb5: {  	s25 =	simm.s32 $0x10400  }
0xb6: {  	[tilespmem:s25], [sflag:$0x6] =	stream.indirect_vreg.gather [hbm4b:s6+s3], $0x80, v6, vm0, $0xb8;
	[tilespmem:$0x18400] =	vst v63  }
0xb7: {  	s26 =	simm.s32 $0x10C00  }
0xb8: {  	[tilespmem:s26], [sflag:$0x6] =	stream.indirect_vreg.gather [hbm4b:s1+s3], $0x80, v4, vm0, $0xb8;
	[tilespmem:$0x18400] =	vst v63  }
.Ltmp2:
0xb9: {  	_ = 	snop;
	(pc) =	sbr.rel .LBB2_2-.Ltmp2, $4  }
0xba: {  	s28 =	simm.s32 $0x11400  }
0xbb: {  	[tilespmem:s28], [sflag:$0x6] =	stream.indirect_vreg.gather [hbm4b:s5+s3], $0x80, v4, vm0, $0xb8;
	[tilespmem:$0x18400] =	vst v63  }
0xbc: {  	s14 =	simm.s32 $0x0;
	s29 =	simm.s32 $0x11C00;
	s25 =	simm.s32 $0x70  }
0xbd: {  	[tilespmem:s29], [sflag:$0x6] =	stream.indirect_vreg.gather [hbm4b:s6+s3], $0x80, v4, vm0, $0xb8;
	[tilespmem:$0x18400] =	vst v63  }
.LBB2_7:
0xbe: {  	_ =	swait.ge [sflag:s7], $0x3000  }
0xbf: {  	[sflag:s7] =	ssyncset.done $0x0  }
0xc0: {  	s29 =	simm.s32 $0xC400;
	[sflag:s7] =	ssyncadd.s32 $0xFFFFD000  }
0xc1: {  	[hbm4b:s28+s3] =	stream.linear.scatter [tilespmem:s29], [sflag:$0xD], $0x3000, $0x38;
	[tilespmem:$0x18400] =	vst v63  }
.LBB2_8:
0xc2: {  	_ =	swait.ge [sflag:s11], $0x3000  }
0xc3: {  	[sflag:s11] =	ssyncset.done $0x0  }
0xc4: {  	s26 =	sadd.s32 $0x1E00, s26;
	s28 =	simm.s32 $0xF400;
	[sflag:s11] =	ssyncadd.s32 $0xFFFFD000  }
0xc5: {  	[hbm4b:s26+s3] =	stream.linear.scatter [tilespmem:s28], [sflag:$0xE], $0x3000, $0x38;
	[tilespmem:$0x18400] =	vst v63  }
0xc6: {  	s26 =	simm.s32 @!p0 $0xD  }
0xc7: {  	_ =	swait.ge @!p0 [sflag:s26], $0x3000  }
0xc8: {  	[sflag:s26] =	ssyncset.done @!p0 $0x0  }
0xc9: {  	[sflag:s26] =	ssyncadd.s32 @!p0 $0xFFFFD000  }
0xca: {  	v4 =	vld @!p0 [tilespmem:s25+$0x50];
	_ =	sdelay $0x4  }
0xcb: {  	vm1 =	vgt.s32 @!p0 v4, $0x0  }
0xcc: {  	v4 =	vnsel @!p0 vm1, $0x0, v4  }
0xcd: {  	v5 =	vadd.s32 @!p0 v0, v4  }
0xce: {  	v6 =	vshrl.u32 @!p0 v5, $0x3  }
0xcf: {  	v6 =	vmul.u32 @!p0 $0x30, v6  }
0xd0: {  	v7 =	vlaneseq.u32 @!p0;
	v4 =	vand.u32 @!p0 $0x7, v4  }
0xd1: {  	v8 =	vshrl.u32 @!p0 v7, $0x3;
	v4 =	vor.u32 @!p0 v4, v6;
	v6 =	vand.u32 @!p0 $0x7, v7  }
0xd2: {  	v8 =	vmul.u32 @!p0 $0x8, v8;
	v9 =	vperm.xlane @!p0 v4, v6;
	_ =	sdelay $0x1  }
0xd3: {  	v9 =	vadd.s32 @!p0 v8, v9;
	_ =	sdelay $0x2  }
0xd4: {  	v7 =	vor.u32 @!p0 $0x8, v7  }
0xd5: {  	s28 =	simm.s32 @!p0 $0xC400;
	s26 =	simm.s32 @!p0 $0x0;
	vm1 =	vmmov @!p0 $0xffff;
	[tilespmem:s25+$0x50] =	vst @!p0 v5;
	v4 =	vperm.xlane @!p0 v4, v7  }
0xd6: {  	[tilespmem:s28], [sflag:$0x5] =	stream.indirect_vreg.gather @!p0 [hbm4b:s1+s26], $0x80, v9, vm1, $0xb8;
	[tilespmem:$0x18400] =	vst v63  }
0xd7: {  	v4 =	vadd.s32 @!p0 v8, v4;
	s28 =	simm.s32 @!p0 $0xCC00  }
0xd8: {  	[tilespmem:s28], [sflag:$0x5] =	stream.indirect_vreg.gather @!p0 [hbm4b:s5+s26], $0x80, v9, vm1, $0xb8;
	[tilespmem:$0x18400] =	vst v63  }
0xd9: {  	s28 =	simm.s32 @!p0 $0xD400  }
0xda: {  	[tilespmem:s28], [sflag:$0x5] =	stream.indirect_vreg.gather @!p0 [hbm4b:s6+s26], $0x80, v9, vm1, $0xb8;
	[tilespmem:$0x18400] =	vst v63  }
0xdb: {  	s28 =	simm.s32 @!p0 $0xDC00  }
0xdc: {  	[tilespmem:s28], [sflag:$0x5] =	stream.indirect_vreg.gather @!p0 [hbm4b:s1+s26], $0x80, v4, vm1, $0xb8;
	[tilespmem:$0x18400] =	vst v63  }
0xdd: {  	s28 =	simm.s32 @!p0 $0xE400  }
0xde: {  	[tilespmem:s28], [sflag:$0x5] =	stream.indirect_vreg.gather @!p0 [hbm4b:s5+s26], $0x80, v4, vm1, $0xb8;
	[tilespmem:$0x18400] =	vst v63  }
0xdf: {  	s28 =	simm.s32 @!p0 $0xEC00  }
0xe0: {  	[tilespmem:s28], [sflag:$0x5] =	stream.indirect_vreg.gather @!p0 [hbm4b:s6+s26], $0x80, v4, vm1, $0xb8;
	[tilespmem:$0x18400] =	vst v63  }
0xe1: {  	_ =	swait.ge [sflag:s16], $0x3000  }
0xe2: {  	[sflag:s16] =	ssyncset.done $0x0  }
0xe3: {  	s29 =	sadd.s32 s14, s8;
	s28 =	simm.s32 @!p0 $0xE;
	[sflag:s16] =	ssyncadd.s32 $0xFFFFD000  }
0xe4: {  	[hbm4b:s29+s3] =	stream.linear.scatter [tilespmem:s15], [sflag:$0xF], $0x3000, $0x38;
	[tilespmem:$0x18400] =	vst v63  }
0xe5: {  	_ =	swait.ge @!p0 [sflag:s28], $0x3000  }
0xe6: {  	[sflag:s28] =	ssyncset.done @!p0 $0x0  }
0xe7: {  	[sflag:s28] =	ssyncadd.s32 @!p0 $0xFFFFD000  }
0xe8: {  	v4 =	vld @!p0 [tilespmem:s25+$0x60];
	_ =	sdelay $0x4  }
0xe9: {  	vm2 =	vgt.s32 @!p0 v4, $0x0  }
0xea: {  	v4 =	vnsel @!p0 vm2, $0x0, v4  }
0xeb: {  	v5 =	vadd.s32 @!p0 v0, v4  }
0xec: {  	v9 =	vshrl.u32 @!p0 v5, $0x3  }
0xed: {  	v9 =	vmul.u32 @!p0 $0x30, v9  }
0xee: {  	v4 =	vand.u32 @!p0 $0x7, v4  }
0xef: {  	v4 =	vor.u32 @!p0 v4, v9  }
0xf0: {  	v6 =	vperm.xlane @!p0 v4, v6;
	_ =	sdelay $0x1  }
0xf1: {  	v6 =	vadd.s32 @!p0 v8, v6;
	_ =	sdelay $0x3  }
0xf2: {  	s28 =	simm.s32 @!p0 $0xF400;
	[tilespmem:s25+$0x60] =	vst @!p0 v5;
	v4 =	vperm.xlane @!p0 v4, v7  }
0xf3: {  	[tilespmem:s28], [sflag:$0x6] =	stream.indirect_vreg.gather @!p0 [hbm4b:s1+s26], $0x80, v6, vm1, $0xb8;
	[tilespmem:$0x18400] =	vst v63  }
0xf4: {  	v4 =	vadd.s32 @!p0 v8, v4;
	s28 =	simm.s32 @!p0 $0xFC00  }
0xf5: {  	[tilespmem:s28], [sflag:$0x6] =	stream.indirect_vreg.gather @!p0 [hbm4b:s5+s26], $0x80, v6, vm1, $0xb8;
	[tilespmem:$0x18400] =	vst v63  }
0xf6: {  	s28 =	simm.s32 @!p0 $0x10400  }
0xf7: {  	[tilespmem:s28], [sflag:$0x6] =	stream.indirect_vreg.gather @!p0 [hbm4b:s6+s26], $0x80, v6, vm1, $0xb8;
	[tilespmem:$0x18400] =	vst v63  }
0xf8: {  	s28 =	simm.s32 @!p0 $0x10C00  }
0xf9: {  	[tilespmem:s28], [sflag:$0x6] =	stream.indirect_vreg.gather @!p0 [hbm4b:s1+s26], $0x80, v4, vm1, $0xb8;
	[tilespmem:$0x18400] =	vst v63  }
0xfa: {  	s28 =	simm.s32 @!p0 $0x11400  }
0xfb: {  	[tilespmem:s28], [sflag:$0x6] =	stream.indirect_vreg.gather @!p0 [hbm4b:s5+s26], $0x80, v4, vm1, $0xb8;
	[tilespmem:$0x18400] =	vst v63  }
0xfc: {  	s29 =	sadd.s32 s14, s9;
	s14 =	sadd.s32 $0x3000, s14;
	s28 =	simm.s32 @!p0 $0x11C00  }
0xfd: {  	[tilespmem:s28], [sflag:$0x6] =	stream.indirect_vreg.gather @!p0 [hbm4b:s6+s26], $0x80, v4, vm1, $0xb8;
	[tilespmem:$0x18400] =	vst v63  }
0xfe: {  	p0 =	sne.s32 s14, $0x18000  }
.Ltmp3:
0xff: {  	_ = 	snop;
	(pc) =	sbr.rel @!p0 .LBB2_9-.Ltmp3, $4  }
0x100: {  	_ =	swait.ge [sflag:s17], $0x3000  }
0x101: {  	[sflag:s17] =	ssyncset.done $0x0  }
0x102: {  	s25 =	sadd.s32 $0x80, s25;
	[sflag:s17] =	ssyncadd.s32 $0xFFFFD000  }
0x103: {  	[hbm4b:s29+s3] =	stream.linear.scatter [tilespmem:s23], [sflag:$0x10], $0x3000, $0x38;
	[tilespmem:$0x18400] =	vst v63  }
.LBB2_2:
0x104: {  	p0 =	seq.s32 s14, $0x0  }
0x105: {  	s26 =	simm.s32 @!p0 $0xF  }
0x106: {  	_ =	swait.ge @!p0 [sflag:s26], $0x3000  }
0x107: {  	[sflag:s26] =	ssyncset.done @!p0 $0x0  }
0x108: {  	[sflag:s26] =	ssyncadd.s32 @!p0 $0xFFFFD000  }
0x109: {  	v4 =	vld [tilespmem:s25+$0xFFFFFFF0];
	_ =	sdelay $0x4  }
0x10a: {  	vm1 =	vgt.s32 v4, $0x0  }
0x10b: {  	v4 =	vnsel vm1, $0x0, v4  }
0x10c: {  	v5 =	vadd.s32 v0, v4  }
0x10d: {  	v6 =	vshrl.u32 v5, $0x3  }
0x10e: {  	v6 =	vmul.u32 $0x30, v6  }
0x10f: {  	v4 =	vand.u32 $0x7, v4  }
0x110: {  	v4 =	vor.u32 v4, v6  }
0x111: {  	v6 =	vperm.xlane v4, v1;
	_ =	sdelay $0x1  }
0x112: {  	v6 =	vadd.s32 v2, v6;
	_ =	sdelay $0x3  }
0x113: {  	[tilespmem:s25+$0xFFFFFFF0] =	vst v5;
	v4 =	vperm.xlane v4, v3  }
0x114: {  	[tilespmem:s15], [sflag:$0x7] =	stream.indirect_vreg.gather [hbm4b:s1+s3], $0x80, v6, vm0, $0xb8;
	[tilespmem:$0x18400] =	vst v63  }
0x115: {  	s29 =	simm.s32 $0x12C00;
	v4 =	vadd.s32 v2, v4  }
0x116: {  	[tilespmem:s29], [sflag:$0x7] =	stream.indirect_vreg.gather [hbm4b:s5+s3], $0x80, v6, vm0, $0xb8;
	[tilespmem:$0x18400] =	vst v63  }
0x117: {  	s29 =	simm.s32 $0x13400  }
0x118: {  	[tilespmem:s29], [sflag:$0x7] =	stream.indirect_vreg.gather [hbm4b:s6+s3], $0x80, v6, vm0, $0xb8;
	[tilespmem:$0x18400] =	vst v63  }
0x119: {  	s29 =	simm.s32 $0x13C00  }
0x11a: {  	[tilespmem:s29], [sflag:$0x7] =	stream.indirect_vreg.gather [hbm4b:s1+s3], $0x80, v4, vm0, $0xb8;
	[tilespmem:$0x18400] =	vst v63  }
0x11b: {  	s29 =	simm.s32 $0x14400  }
0x11c: {  	[tilespmem:s29], [sflag:$0x7] =	stream.indirect_vreg.gather [hbm4b:s5+s3], $0x80, v4, vm0, $0xb8;
	[tilespmem:$0x18400] =	vst v63  }
0x11d: {  	s29 =	simm.s32 $0x14C00  }
0x11e: {  	[tilespmem:s29], [sflag:$0x7] =	stream.indirect_vreg.gather [hbm4b:s6+s3], $0x80, v4, vm0, $0xb8;
	[tilespmem:$0x18400] =	vst v63  }
0x11f: {  	_ =	swait.ge [sflag:s22], $0x3000  }
0x120: {  	[sflag:s22] =	ssyncset.done $0x0  }
0x121: {  	s28 =	simm.s32 @!p0 $0x10;
	s26 =	sadd.s32 s14, s10;
	[sflag:s22] =	ssyncadd.s32 $0xFFFFD000  }
0x122: {  	[hbm4b:s26+s3] =	stream.linear.scatter [tilespmem:s12], [sflag:$0x9], $0x3000, $0x38;
	[tilespmem:$0x18400] =	vst v63  }
0x123: {  	_ =	swait.ge @!p0 [sflag:s28], $0x3000  }
0x124: {  	[sflag:s28] =	ssyncset.done @!p0 $0x0  }
0x125: {  	[sflag:s28] =	ssyncadd.s32 @!p0 $0xFFFFD000  }
0x126: {  	v4 =	vld [tilespmem:s25+$0x0];
	_ =	sdelay $0x4  }
0x127: {  	vm1 =	vgt.s32 v4, $0x0  }
0x128: {  	v4 =	vnsel vm1, $0x0, v4  }
0x129: {  	v5 =	vadd.s32 v0, v4  }
0x12a: {  	v63 =	vshrl.u32 v5, $0x3  }
0x12b: {  	v6 =	vmul.u32 $0x30, v63  }
0x12c: {  	v4 =	vand.u32 $0x7, v4  }
0x12d: {  	v4 =	vor.u32 v4, v6  }
0x12e: {  	v6 =	vperm.xlane v4, v1;
	_ =	sdelay $0x1  }
0x12f: {  	v6 =	vadd.s32 v2, v6;
	_ =	sdelay $0x3  }
0x130: {  	[tilespmem:s25+$0x0] =	vst v5;
	v4 =	vperm.xlane v4, v3  }
0x131: {  	[tilespmem:s23], [sflag:$0x8] =	stream.indirect_vreg.gather [hbm4b:s1+s3], $0x80, v6, vm0, $0xb8;
	[tilespmem:$0x18400] =	vst v63  }
0x132: {  	s28 =	simm.s32 $0x15C00;
	v4 =	vadd.s32 v2, v4  }
0x133: {  	[tilespmem:s28], [sflag:$0x8] =	stream.indirect_vreg.gather [hbm4b:s5+s3], $0x80, v6, vm0, $0xb8;
	[tilespmem:$0x18400] =	vst v63  }
0x134: {  	s28 =	simm.s32 $0x16400  }
0x135: {  	[tilespmem:s28], [sflag:$0x8] =	stream.indirect_vreg.gather [hbm4b:s6+s3], $0x80, v6, vm0, $0xb8;
	[tilespmem:$0x18400] =	vst v63  }
0x136: {  	s28 =	simm.s32 $0x16C00  }
0x137: {  	[tilespmem:s28], [sflag:$0x8] =	stream.indirect_vreg.gather [hbm4b:s1+s3], $0x80, v4, vm0, $0xb8;
	[tilespmem:$0x18400] =	vst v63  }
0x138: {  	s28 =	simm.s32 $0x17400  }
0x139: {  	[tilespmem:s28], [sflag:$0x8] =	stream.indirect_vreg.gather [hbm4b:s5+s3], $0x80, v4, vm0, $0xb8;
	[tilespmem:$0x18400] =	vst v63  }
0x13a: {  	p0 =	seq.s32 s14, $0x15000  }
0x13b: {  	[tilespmem:s30], [sflag:$0x8] =	stream.indirect_vreg.gather [hbm4b:s6+s3], $0x80, v4, vm0, $0xb8;
	[tilespmem:$0x18400] =	vst v63  }
.Ltmp4:
0x13c: {  	_ =	swait.ge [sflag:s0], $0x3000;
	(pc) =	sbr.rel @!p0 .LBB2_3-.Ltmp4, $4  }
0x13d: {  	[sflag:s0] =	ssyncset.done $0x0  }
0x13e: {  	s28 =	sadd.s32 $0x600, s26;
	[sflag:s0] =	ssyncadd.s32 $0xFFFFD000  }
0x13f: {  	[hbm4b:s28+s3] =	stream.linear.scatter [tilespmem:s18], [sflag:$0xA], $0x3000, $0x38;
	[tilespmem:$0x18400] =	vst v63  }
0x140: {  	s28 =	sadd.s32 $0xC00, s26  }
.Ltmp5:
0x141: {  	(pc) =	sbr.rel .LBB2_5-.Ltmp5, $4  }
0x142: {  	_ =	swait.ge [sflag:s2], $0x3000  }
0x143: {  	[sflag:s2] =	ssyncset.done $0x0  }
0x144: {  	[sflag:s2] =	ssyncadd.s32 $0xFFFFD000  }
0x145: {  	[hbm4b:s28+s3] =	stream.linear.scatter [tilespmem:s24], [sflag:$0xB], $0x3000, $0x38;
	[tilespmem:$0x18400] =	vst v63  }
.LBB2_3:
0x146: {  	_ =	swait.ge [sflag:s13], $0x3000  }
0x147: {  	[sflag:s13] =	ssyncset.done $0x0  }
0x148: {  	[sflag:s13] =	ssyncadd.s32 $0xFFFFD000  }
0x149: {  	v4 =	vld [tilespmem:s25+$0x10];
	_ =	sdelay $0x4  }
0x14a: {  	vm1 =	vgt.s32 v4, $0x0  }
0x14b: {  	v4 =	vnsel vm1, $0x0, v4  }
0x14c: {  	v5 =	vadd.s32 v0, v4  }
0x14d: {  	v6 =	vshrl.u32 v5, $0x3  }
0x14e: {  	v6 =	vmul.u32 $0x30, v6  }
0x14f: {  	v4 =	vand.u32 $0x7, v4  }
0x150: {  	v4 =	vor.u32 v4, v6  }
0x151: {  	v6 =	vperm.xlane v4, v1;
	_ =	sdelay $0x1  }
0x152: {  	v6 =	vadd.s32 v2, v6;
	_ =	sdelay $0x3  }
0x153: {  	[tilespmem:s25+$0x10] =	vst v5;
	v4 =	vperm.xlane v4, v3  }
0x154: {  	[tilespmem:s12], [sflag:$0x1] =	stream.indirect_vreg.gather [hbm4b:s1+s3], $0x80, v6, vm0, $0xb8;
	[tilespmem:$0x18400] =	vst v63  }
0x155: {  	s29 =	simm.s32 $0xC00;
	v4 =	vadd.s32 v2, v4  }
0x156: {  	[tilespmem:s29], [sflag:$0x1] =	stream.indirect_vreg.gather [hbm4b:s5+s3], $0x80, v6, vm0, $0xb8;
	[tilespmem:$0x18400] =	vst v63  }
0x157: {  	s29 =	simm.s32 $0x1400  }
0x158: {  	[tilespmem:s29], [sflag:$0x1] =	stream.indirect_vreg.gather [hbm4b:s6+s3], $0x80, v6, vm0, $0xb8;
	[tilespmem:$0x18400] =	vst v63  }
0x159: {  	s29 =	simm.s32 $0x1C00  }
0x15a: {  	[tilespmem:s29], [sflag:$0x1] =	stream.indirect_vreg.gather [hbm4b:s1+s3], $0x80, v4, vm0, $0xb8;
	[tilespmem:$0x18400] =	vst v63  }
0x15b: {  	s29 =	simm.s32 $0x2400  }
0x15c: {  	[tilespmem:s29], [sflag:$0x1] =	stream.indirect_vreg.gather [hbm4b:s5+s3], $0x80, v4, vm0, $0xb8;
	[tilespmem:$0x18400] =	vst v63  }
0x15d: {  	s29 =	simm.s32 $0x2C00  }
0x15e: {  	[tilespmem:s29], [sflag:$0x1] =	stream.indirect_vreg.gather [hbm4b:s6+s3], $0x80, v4, vm0, $0xb8;
	[tilespmem:$0x18400] =	vst v63  }
0x15f: {  	_ =	swait.ge [sflag:s2], $0x3000  }
0x160: {  	[sflag:s2] =	ssyncset.done $0x0  }
0x161: {  	[sflag:s2] =	ssyncadd.s32 $0xFFFFD000  }
0x162: {  	[hbm4b:s28+s3] =	stream.linear.scatter [tilespmem:s24], [sflag:$0xB], $0x3000, $0x38;
	[tilespmem:$0x18400] =	vst v63  }
0x163: {  	_ =	swait.ge [sflag:s19], $0x3000  }
0x164: {  	[sflag:s19] =	ssyncset.done $0x0  }
0x165: {  	[sflag:s19] =	ssyncadd.s32 $0xFFFFD000  }
0x166: {  	v4 =	vld [tilespmem:s25+$0x20];
	_ =	sdelay $0x4  }
0x167: {  	vm1 =	vgt.s32 v4, $0x0  }
0x168: {  	v4 =	vnsel vm1, $0x0, v4  }
0x169: {  	v5 =	vadd.s32 v0, v4  }
0x16a: {  	v63 =	vshrl.u32 v5, $0x3  }
0x16b: {  	v6 =	vmul.u32 $0x30, v63  }
0x16c: {  	v4 =	vand.u32 $0x7, v4  }
0x16d: {  	v4 =	vor.u32 v4, v6  }
0x16e: {  	v6 =	vperm.xlane v4, v1;
	_ =	sdelay $0x1  }
0x16f: {  	v6 =	vadd.s32 v2, v6;
	_ =	sdelay $0x3  }
0x170: {  	[tilespmem:s25+$0x20] =	vst v5;
	v4 =	vperm.xlane v4, v3  }
0x171: {  	[tilespmem:s18], [sflag:$0x2] =	stream.indirect_vreg.gather [hbm4b:s1+s3], $0x80, v6, vm0, $0xb8;
	[tilespmem:$0x18400] =	vst v63  }
0x172: {  	s29 =	simm.s32 $0x3C00;
	v4 =	vadd.s32 v2, v4  }
0x173: {  	[tilespmem:s29], [sflag:$0x2] =	stream.indirect_vreg.gather [hbm4b:s5+s3], $0x80, v6, vm0, $0xb8;
	[tilespmem:$0x18400] =	vst v63  }
0x174: {  	s29 =	simm.s32 $0x4400  }
0x175: {  	[tilespmem:s29], [sflag:$0x2] =	stream.indirect_vreg.gather [hbm4b:s6+s3], $0x80, v6, vm0, $0xb8;
	[tilespmem:$0x18400] =	vst v63  }
0x176: {  	s29 =	simm.s32 $0x4C00  }
0x177: {  	[tilespmem:s29], [sflag:$0x2] =	stream.indirect_vreg.gather [hbm4b:s1+s3], $0x80, v4, vm0, $0xb8;
	[tilespmem:$0x18400] =	vst v63  }
0x178: {  	s29 =	simm.s32 $0x5400  }
0x179: {  	[tilespmem:s29], [sflag:$0x2] =	stream.indirect_vreg.gather [hbm4b:s5+s3], $0x80, v4, vm0, $0xb8;
	[tilespmem:$0x18400] =	vst v63  }
0x17a: {  	s29 =	simm.s32 $0x5C00  }
0x17b: {  	[tilespmem:s29], [sflag:$0x2] =	stream.indirect_vreg.gather [hbm4b:s6+s3], $0x80, v4, vm0, $0xb8;
	[tilespmem:$0x18400] =	vst v63  }
.LBB2_5:
.Ltmp6:
0x17c: {  	_ =	swait.ge [sflag:s4], $0x3000;
	(pc) =	sbr.rel @p0 .LBB2_7-.Ltmp6, $4  }
0x17d: {  	[sflag:s4] =	ssyncset.done $0x0  }
0x17e: {  	s28 =	sadd.s32 $0x1200, s26;
	[sflag:s4] =	ssyncadd.s32 $0xFFFFD000  }
0x17f: {  	[hbm4b:s28+s3] =	stream.linear.scatter [tilespmem:s31], [sflag:$0xC], $0x3000, $0x38;
	[tilespmem:$0x18400] =	vst v63  }
0x180: {  	s28 =	sadd.s32 $0x1800, s26  }
0x181: {  	_ =	swait.ge [sflag:s20], $0x3000  }
0x182: {  	[sflag:s20] =	ssyncset.done $0x0  }
0x183: {  	[sflag:s20] =	ssyncadd.s32 $0xFFFFD000  }
0x184: {  	v4 =	vld [tilespmem:s25+$0x30];
	_ =	sdelay $0x4  }
0x185: {  	vm1 =	vgt.s32 v4, $0x0  }
0x186: {  	v4 =	vnsel vm1, $0x0, v4  }
0x187: {  	v5 =	vadd.s32 v0, v4  }
0x188: {  	v6 =	vshrl.u32 v5, $0x3  }
0x189: {  	v6 =	vmul.u32 $0x30, v6  }
0x18a: {  	v4 =	vand.u32 $0x7, v4  }
0x18b: {  	v4 =	vor.u32 v4, v6  }
0x18c: {  	v6 =	vperm.xlane v4, v1;
	_ =	sdelay $0x1  }
0x18d: {  	v6 =	vadd.s32 v2, v6;
	_ =	sdelay $0x3  }
0x18e: {  	[tilespmem:s25+$0x30] =	vst v5;
	v4 =	vperm.xlane v4, v3  }
0x18f: {  	[tilespmem:s24], [sflag:$0x3] =	stream.indirect_vreg.gather [hbm4b:s1+s3], $0x80, v6, vm0, $0xb8;
	[tilespmem:$0x18400] =	vst v63  }
0x190: {  	s29 =	simm.s32 $0x6C00;
	v4 =	vadd.s32 v2, v4  }
0x191: {  	[tilespmem:s29], [sflag:$0x3] =	stream.indirect_vreg.gather [hbm4b:s5+s3], $0x80, v6, vm0, $0xb8;
	[tilespmem:$0x18400] =	vst v63  }
0x192: {  	s29 =	simm.s32 $0x7400  }
0x193: {  	[tilespmem:s29], [sflag:$0x3] =	stream.indirect_vreg.gather [hbm4b:s6+s3], $0x80, v6, vm0, $0xb8;
	[tilespmem:$0x18400] =	vst v63  }
0x194: {  	s29 =	simm.s32 $0x7C00  }
0x195: {  	[tilespmem:s29], [sflag:$0x3] =	stream.indirect_vreg.gather [hbm4b:s1+s3], $0x80, v4, vm0, $0xb8;
	[tilespmem:$0x18400] =	vst v63  }
0x196: {  	s29 =	simm.s32 $0x8400  }
0x197: {  	[tilespmem:s29], [sflag:$0x3] =	stream.indirect_vreg.gather [hbm4b:s5+s3], $0x80, v4, vm0, $0xb8;
	[tilespmem:$0x18400] =	vst v63  }
0x198: {  	s29 =	simm.s32 $0x8C00  }
0x199: {  	[tilespmem:s29], [sflag:$0x3] =	stream.indirect_vreg.gather [hbm4b:s6+s3], $0x80, v4, vm0, $0xb8;
	[tilespmem:$0x18400] =	vst v63  }
0x19a: {  	_ =	swait.ge [sflag:s7], $0x3000  }
0x19b: {  	[sflag:s7] =	ssyncset.done $0x0  }
0x19c: {  	s29 =	simm.s32 $0xC400;
	[sflag:s7] =	ssyncadd.s32 $0xFFFFD000  }
0x19d: {  	[hbm4b:s28+s3] =	stream.linear.scatter [tilespmem:s29], [sflag:$0xD], $0x3000, $0x38;
	[tilespmem:$0x18400] =	vst v63  }
0x19e: {  	_ =	swait.ge [sflag:s21], $0x3000  }
0x19f: {  	[sflag:s21] =	ssyncset.done $0x0  }
0x1a0: {  	[sflag:s21] =	ssyncadd.s32 $0xFFFFD000  }
0x1a1: {  	v4 =	vld [tilespmem:s25+$0x40];
	_ =	sdelay $0x4  }
0x1a2: {  	vm1 =	vgt.s32 v4, $0x0  }
0x1a3: {  	v4 =	vnsel vm1, $0x0, v4  }
0x1a4: {  	v5 =	vadd.s32 v0, v4  }
0x1a5: {  	v63 =	vshrl.u32 v5, $0x3  }
0x1a6: {  	v6 =	vmul.u32 $0x30, v63  }
0x1a7: {  	v4 =	vand.u32 $0x7, v4  }
0x1a8: {  	v4 =	vor.u32 v4, v6  }
0x1a9: {  	v6 =	vperm.xlane v4, v1;
	_ =	sdelay $0x1  }
0x1aa: {  	v6 =	vadd.s32 v2, v6;
	_ =	sdelay $0x3  }
0x1ab: {  	[tilespmem:s25+$0x40] =	vst v5;
	v4 =	vperm.xlane v4, v3  }
0x1ac: {  	[tilespmem:s31], [sflag:$0x4] =	stream.indirect_vreg.gather [hbm4b:s1+s3], $0x80, v6, vm0, $0xb8;
	[tilespmem:$0x18400] =	vst v63  }
0x1ad: {  	s29 =	simm.s32 $0x9C00;
	v4 =	vadd.s32 v2, v4  }
0x1ae: {  	[tilespmem:s29], [sflag:$0x4] =	stream.indirect_vreg.gather [hbm4b:s5+s3], $0x80, v6, vm0, $0xb8;
	[tilespmem:$0x18400] =	vst v63  }
0x1af: {  	s29 =	simm.s32 $0xA400  }
0x1b0: {  	[tilespmem:s29], [sflag:$0x4] =	stream.indirect_vreg.gather [hbm4b:s6+s3], $0x80, v6, vm0, $0xb8;
	[tilespmem:$0x18400] =	vst v63  }
0x1b1: {  	s29 =	simm.s32 $0xAC00  }
0x1b2: {  	[tilespmem:s29], [sflag:$0x4] =	stream.indirect_vreg.gather [hbm4b:s1+s3], $0x80, v4, vm0, $0xb8;
	[tilespmem:$0x18400] =	vst v63  }
.Ltmp7:
0x1b3: {  	_ = 	snop;
	(pc) =	sbr.rel .LBB2_8-.Ltmp7, $4  }
0x1b4: {  	s29 =	simm.s32 $0xB400  }
0x1b5: {  	[tilespmem:s29], [sflag:$0x4] =	stream.indirect_vreg.gather [hbm4b:s5+s3], $0x80, v4, vm0, $0xb8;
	[tilespmem:$0x18400] =	vst v63  }
0x1b6: {  	s29 =	simm.s32 $0xBC00  }
0x1b7: {  	[tilespmem:s29], [sflag:$0x4] =	stream.indirect_vreg.gather [hbm4b:s6+s3], $0x80, v4, vm0, $0xb8;
	[tilespmem:$0x18400] =	vst v63  }
.LBB2_10:
0x1b8: {  	_ =	sfence.sel $0x180000  }
0x1b9: {  	[bflag:$0x0] =	sbarrier.arrive $0xFFFF  }
0x1ba: {  	_ =	strace $0x90000047  }
0x1bb: {  	s0 =	stileid.u32;
	[bflag:$0x2] =	sbarrier.arrive $0xFFFF  }
0x1bc: {  	p0 =	sne.s32 s0, $0x0;
	s0 =	rddreg [dreg:$0x3]  }
0x1bd: {  	s0 =	sadd.s32 @!p0 $0x100000, s0  }
0x1be: {  	[sflag:s0] =	ssyncadd.tile.s32 @!p0 $0x1;
	_ =	shalt  }
.Lfunc_end2:
_tile_overlayer_lowered:
.L_overlay_start_2:
0x1bf: {  	(tag) =	ssettag $0x2  }
0x1c0: {  	s0 =	rddreg [dreg:$0x0];
	s2 =	stileid.u32  }
0x1c1: {  	s1 =	rddreg [dreg:$0x1];
	p0 =	sne.s32 s2, $0x0  }
0x1c2: {  	s3 =	rddreg [dreg:$0x2];
	[bflag:$0x3] =	sbarrier.arrive $0xFFFF;
	s2 =	simm.s32 @!p0 $0x1C11  }
0x1c3: {  	[timem:s3], [sflag:s2] =	dma.local @!p0 [hbm:s0], s1  }
0x1c4: {  	s0 =	simm.s32 @!p0 $0x11  }
0x1c5: {  	_ =	swait.ge @!p0 [sflag:s0], s1  }
0x1c6: {  	s1 =	ssub.s32 @!p0 $0x0, s1;
	[sflag:s0] =	ssyncset.done @!p0 $0x0  }
0x1c7: {  	[sflag:s0] =	ssyncadd.s32 @!p0 s1  }
0x1c8: {  	[bflag:$0x3] =	sbarrier.arrive $0xFFFF  }
0x1c9: {  	_ =	shalt  }

</sc_bundles>
